<compile_context>
chip_gen: v7x
topology: tpu7x:2x2x1
jax: 0.10.2.dev20260603
libtpu: 0.0.44.dev20260713+nightly
codegen_flags: <defaults>
</compile_context>

<pallas_src>
import functools

import jax
import jax.numpy as jnp
from jax import lax
from jax.experimental import pallas as pl
from jax.experimental.pallas import tpu as pltpu
from jax.experimental.pallas import tpu_sc as plsc

VOCAB = 100000
EMBED_DIM = 64
BATCH = 16384
HIST_LEN = 50
B_FLAT = BATCH * HIST_LEN

_NUM_CORES = 2
_NUM_SUBCORES = 16
_NW = _NUM_CORES * _NUM_SUBCORES
_B_PER_W = B_FLAT // _NW
_UNITS_PER_W = _B_PER_W // 128
_GROUPS_PER_W = _UNITS_PER_W // 4
_PAIRS = _GROUPS_PER_W // 2
_CPLANE = BATCH // 128


@functools.partial(
    pl.kernel,
    mesh=plsc.VectorSubcoreMesh(core_axis_name="c", subcore_axis_name="s"),
    out_type=jax.ShapeDtypeStruct((HIST_LEN, 8, _CPLANE, 1024), jnp.float32),
    scratch_types=[
        pltpu.VMEM((_B_PER_W + 128,), jnp.int32),
        pltpu.VMEM((2, 128, EMBED_DIM), jnp.float32),
        pltpu.VMEM((32768,), jnp.float32),
        pltpu.VMEM((32768,), jnp.float32),
        pltpu.SemaphoreType.DMA,
        pltpu.SemaphoreType.DMA,
        pltpu.SemaphoreType.DMA,
    ],
    compiler_params=pltpu.CompilerParams(
        use_tc_tiling_on_sc=False, needs_layout_passes=False),
)
def _gather_kernel(seq_hbm, table_hbm, w2_hbm, idx_v, rows_v,
                   buf0, buf1, sem_g, sem_w0, sem_w1):
    wid = lax.axis_index("s") * _NUM_CORES + lax.axis_index("c")
    base = wid * _B_PER_W
    u_base = wid * _UNITS_PER_W
    iota = lax.iota(jnp.int32, 16)
    zeros16 = jnp.zeros((16,), jnp.int32)
    rotv = [(iota + s) & 15 for s in range(16)]
    storev = [r * 128 + iota for r in rotv]

    for i in range(8):
        idx_v[pl.ds(_B_PER_W + i * 16, 16)] = zeros16
    pltpu.sync_copy(seq_hbm.at[pl.ds(base, _B_PER_W)], idx_v.at[pl.ds(0, _B_PER_W)])

    def fire_gather(j, slot):
        pltpu.async_copy(
            table_hbm.at[idx_v.at[pl.ds(j * 128, 128)]],
            rows_v.at[slot], sem_g)

    def wait_gather():
        pltpu.make_async_copy(
            table_hbm.at[pl.ds(0, 128)], rows_v.at[0], sem_g).wait()

    def wait_writes(sem_w):
        pltpu.make_async_copy(
            w2_hbm.at[0, 0, 0], buf0.at[pl.ds(0, 1024)], sem_w).wait()


    def group(k, buf, sem_w, guarded):
        u0 = u_base + 4 * k
        t = u0 // _CPLANE
        c0 = u0 % _CPLANE

        @pl.when(guarded)
        def _():
            wait_writes(sem_w)

        def unit(g, carry):
            j = 4 * k + g
            cur = j & 1
            curv = jnp.broadcast_to(cur, (16,))
            g8192 = g * 8192
            def blk(m, c2):
                b0 = (m // 4) * 16
                d0 = (m % 4) * 16
                bvec = iota + b0
                d0v = jnp.broadcast_to(d0, (16,))
                sb = jnp.broadcast_to(g8192 + 128 * d0 + b0, (16,))
                for s in range(16):
                    v = plsc.load_gather(rows_v, [curv, bvec, rotv[s] + d0v])
                    plsc.store_scatter(buf, [storev[s] + sb], v)
                return c2

            lax.fori_loop(0, 32, blk, 0)
            return carry

        lax.fori_loop(0, 4, unit, 0)

        pltpu.async_copy(
            buf.at[pl.ds(0, 1024)], w2_hbm.at[t, 0, c0], sem_w)

    def pair(p, carry):
        guard = p >= 1
        group(2 * p, buf0, sem_w0, guard)
        group(2 * p + 1, buf1, sem_w1, guard)
        return carry

    lax.fori_loop(0, _PAIRS, pair, 0)

    wait_writes(sem_w0)
    wait_writes(sem_w1)


def kernel(batch_seqs, vectors):
    flat_idx = batch_seqs.T.reshape(B_FLAT)
    w2 = _gather_kernel(flat_idx, vectors)
    return (w2.reshape(HIST_LEN, 8, _CPLANE, 8, 128)
              .transpose(2, 4, 0, 1, 3)
              .reshape(BATCH, HIST_LEN, EMBED_DIM))

# --- scband reference (transcript-rebuilt; emitter-appended) ---
"""Pipeline reference for scband-text-embedding-41901700940081 (READ-ONLY COPY).

The authoritative reference and input builder live on the scoring server;
editing this copy changes nothing except your own understanding.
"""

import jax, jax.numpy as jnp
import numpy as np

VOCAB = 100000
EMBED_DIM = 64
BATCH = 16384
HIST_LEN = 50

def setup_inputs(seed: int = 0) -> dict:
    key = jax.random.key(seed)
    k1, k2 = jax.random.split(key)
    # Pretrained vectors passed to the constructor (nn.Embedding.from_pretrained)
    vectors = jax.random.normal(k1, (VOCAB, EMBED_DIM), dtype=jnp.float32)
    batch_seqs = jax.random.randint(k2, (BATCH, HIST_LEN), 0, VOCAB, dtype=jnp.int32)
    return {"batch_seqs": batch_seqs, "vectors": vectors}

def reference(batch_seqs, vectors):
    # TextEmbedding.forward: self.vecs(batch_seqs) -> embedding gather
    return jnp.take(vectors, batch_seqs, axis=0)

if __name__ == "__main__":
    import jax
    _d = setup_inputs()
    print(jax.jit(kernel)(*tuple(_d.values())))

</pallas_src>

<mosaic_0001>
#map = affine_map<(d0, d1) -> (0)>
#map1 = affine_map<(d0, d1) -> (0, 0)>
#map2 = affine_map<(d0, d1) -> (0, 0, 0, 0)>
module attributes {stable_mosaic.version = 14 : i64} {
  func.func @_gather_kernel(%arg0: i32, %arg1: i32, %arg2: memref<819200xi32, #tpu.memory_space<hbm>>, %arg3: memref<100000x64xf32, #tpu.memory_space<hbm>>, %arg4: memref<50x8x128x1024xf32, #tpu.memory_space<hbm>>, %arg5: memref<25728xi32, #tpu.memory_space<vmem>>, %arg6: memref<2x128x64xf32, #tpu.memory_space<vmem>>, %arg7: memref<32768xf32, #tpu.memory_space<vmem>>, %arg8: memref<32768xf32, #tpu.memory_space<vmem>>, %arg9: memref<!tpu.dma_semaphore, #tpu.memory_space<semaphore_mem>>, %arg10: memref<!tpu.dma_semaphore, #tpu.memory_space<semaphore_mem>>, %arg11: memref<!tpu.dma_semaphore, #tpu.memory_space<semaphore_mem>>) attributes {dimension_semantics = [#tpu.dimension_semantics<core_parallel>, #tpu.dimension_semantics<subcore_parallel>], iteration_bounds = array<i64: 2, 16>, scalar_prefetch = 0 : i64, scratch_operands = 7 : i64, tpu.core_type = #tpu.core_type<sc_vector_subcore>, window_params = [{transform_indices = #map}, {transform_indices = #map1}, {transform_indices = #map2}]} {
    %mul3A = arith.constant 2 : i32
    %mul3A_0 = arith.muli %arg1, %mul3A : i32
    %add3A = arith.addi %mul3A_0, %arg0 : i32
    %mul3A_1 = arith.constant 25600 : i32
    %mul3A_2 = arith.muli %add3A, %mul3A_1 : i32
    %mul3A_3 = arith.constant 200 : i32
    %mul3A_4 = arith.muli %add3A, %mul3A_3 : i32
    %iota3A = tpu.iota {dimensions = array<i32: 0>} : vector<16xi32>
    %broadcast_in_dim3A = arith.constant 0 : i32
    %broadcast_in_dim3A_5 = vector.broadcast %broadcast_in_dim3A : i32 to vector<16xi32>
    %add3A_6 = arith.constant 0 : i32
    %add3A_7 = vector.broadcast %add3A_6 : i32 to vector<16xi32>
    %add3A_8 = arith.addi %iota3A, %add3A_7 : vector<16xi32>
    %and3A = arith.constant 15 : i32
    %and3A_9 = vector.broadcast %and3A : i32 to vector<16xi32>
    %and3A_10 = arith.andi %add3A_8, %and3A_9 : vector<16xi32>
    %add3A_11 = arith.constant 1 : i32
    %add3A_12 = vector.broadcast %add3A_11 : i32 to vector<16xi32>
    %add3A_13 = arith.addi %iota3A, %add3A_12 : vector<16xi32>
    %and3A_14 = arith.constant 15 : i32
    %and3A_15 = vector.broadcast %and3A_14 : i32 to vector<16xi32>
    %and3A_16 = arith.andi %add3A_13, %and3A_15 : vector<16xi32>
    %add3A_17 = arith.constant 2 : i32
    %add3A_18 = vector.broadcast %add3A_17 : i32 to vector<16xi32>
    %add3A_19 = arith.addi %iota3A, %add3A_18 : vector<16xi32>
    %and3A_20 = arith.constant 15 : i32
    %and3A_21 = vector.broadcast %and3A_20 : i32 to vector<16xi32>
    %and3A_22 = arith.andi %add3A_19, %and3A_21 : vector<16xi32>
    %add3A_23 = arith.constant 3 : i32
    %add3A_24 = vector.broadcast %add3A_23 : i32 to vector<16xi32>
    %add3A_25 = arith.addi %iota3A, %add3A_24 : vector<16xi32>
    %and3A_26 = arith.constant 15 : i32
    %and3A_27 = vector.broadcast %and3A_26 : i32 to vector<16xi32>
    %and3A_28 = arith.andi %add3A_25, %and3A_27 : vector<16xi32>
    %add3A_29 = arith.constant 4 : i32
    %add3A_30 = vector.broadcast %add3A_29 : i32 to vector<16xi32>
    %add3A_31 = arith.addi %iota3A, %add3A_30 : vector<16xi32>
    %and3A_32 = arith.constant 15 : i32
    %and3A_33 = vector.broadcast %and3A_32 : i32 to vector<16xi32>
    %and3A_34 = arith.andi %add3A_31, %and3A_33 : vector<16xi32>
    %add3A_35 = arith.constant 5 : i32
    %add3A_36 = vector.broadcast %add3A_35 : i32 to vector<16xi32>
    %add3A_37 = arith.addi %iota3A, %add3A_36 : vector<16xi32>
    %and3A_38 = arith.constant 15 : i32
    %and3A_39 = vector.broadcast %and3A_38 : i32 to vector<16xi32>
    %and3A_40 = arith.andi %add3A_37, %and3A_39 : vector<16xi32>
    %add3A_41 = arith.constant 6 : i32
    %add3A_42 = vector.broadcast %add3A_41 : i32 to vector<16xi32>
    %add3A_43 = arith.addi %iota3A, %add3A_42 : vector<16xi32>
    %and3A_44 = arith.constant 15 : i32
    %and3A_45 = vector.broadcast %and3A_44 : i32 to vector<16xi32>
    %and3A_46 = arith.andi %add3A_43, %and3A_45 : vector<16xi32>
    %add3A_47 = arith.constant 7 : i32
    %add3A_48 = vector.broadcast %add3A_47 : i32 to vector<16xi32>
    %add3A_49 = arith.addi %iota3A, %add3A_48 : vector<16xi32>
    %and3A_50 = arith.constant 15 : i32
    %and3A_51 = vector.broadcast %and3A_50 : i32 to vector<16xi32>
    %and3A_52 = arith.andi %add3A_49, %and3A_51 : vector<16xi32>
    %add3A_53 = arith.constant 8 : i32
    %add3A_54 = vector.broadcast %add3A_53 : i32 to vector<16xi32>
    %add3A_55 = arith.addi %iota3A, %add3A_54 : vector<16xi32>
    %and3A_56 = arith.constant 15 : i32
    %and3A_57 = vector.broadcast %and3A_56 : i32 to vector<16xi32>
    %and3A_58 = arith.andi %add3A_55, %and3A_57 : vector<16xi32>
    %add3A_59 = arith.constant 9 : i32
    %add3A_60 = vector.broadcast %add3A_59 : i32 to vector<16xi32>
    %add3A_61 = arith.addi %iota3A, %add3A_60 : vector<16xi32>
    %and3A_62 = arith.constant 15 : i32
    %and3A_63 = vector.broadcast %and3A_62 : i32 to vector<16xi32>
    %and3A_64 = arith.andi %add3A_61, %and3A_63 : vector<16xi32>
    %add3A_65 = arith.constant 10 : i32
    %add3A_66 = vector.broadcast %add3A_65 : i32 to vector<16xi32>
    %add3A_67 = arith.addi %iota3A, %add3A_66 : vector<16xi32>
    %and3A_68 = arith.constant 15 : i32
    %and3A_69 = vector.broadcast %and3A_68 : i32 to vector<16xi32>
    %and3A_70 = arith.andi %add3A_67, %and3A_69 : vector<16xi32>
    %add3A_71 = arith.constant 11 : i32
    %add3A_72 = vector.broadcast %add3A_71 : i32 to vector<16xi32>
    %add3A_73 = arith.addi %iota3A, %add3A_72 : vector<16xi32>
    %and3A_74 = arith.constant 15 : i32
    %and3A_75 = vector.broadcast %and3A_74 : i32 to vector<16xi32>
    %and3A_76 = arith.andi %add3A_73, %and3A_75 : vector<16xi32>
    %add3A_77 = arith.constant 12 : i32
    %add3A_78 = vector.broadcast %add3A_77 : i32 to vector<16xi32>
    %add3A_79 = arith.addi %iota3A, %add3A_78 : vector<16xi32>
    %and3A_80 = arith.constant 15 : i32
    %and3A_81 = vector.broadcast %and3A_80 : i32 to vector<16xi32>
    %and3A_82 = arith.andi %add3A_79, %and3A_81 : vector<16xi32>
    %add3A_83 = arith.constant 13 : i32
    %add3A_84 = vector.broadcast %add3A_83 : i32 to vector<16xi32>
    %add3A_85 = arith.addi %iota3A, %add3A_84 : vector<16xi32>
    %and3A_86 = arith.constant 15 : i32
    %and3A_87 = vector.broadcast %and3A_86 : i32 to vector<16xi32>
    %and3A_88 = arith.andi %add3A_85, %and3A_87 : vector<16xi32>
    %add3A_89 = arith.constant 14 : i32
    %add3A_90 = vector.broadcast %add3A_89 : i32 to vector<16xi32>
    %add3A_91 = arith.addi %iota3A, %add3A_90 : vector<16xi32>
    %and3A_92 = arith.constant 15 : i32
    %and3A_93 = vector.broadcast %and3A_92 : i32 to vector<16xi32>
    %and3A_94 = arith.andi %add3A_91, %and3A_93 : vector<16xi32>
    %add3A_95 = arith.constant 15 : i32
    %add3A_96 = vector.broadcast %add3A_95 : i32 to vector<16xi32>
    %add3A_97 = arith.addi %iota3A, %add3A_96 : vector<16xi32>
    %and3A_98 = arith.constant 15 : i32
    %and3A_99 = vector.broadcast %and3A_98 : i32 to vector<16xi32>
    %and3A_100 = arith.andi %add3A_97, %and3A_99 : vector<16xi32>
    %mul3A_101 = arith.constant 128 : i32
    %mul3A_102 = vector.broadcast %mul3A_101 : i32 to vector<16xi32>
    %mul3A_103 = arith.muli %and3A_10, %mul3A_102 : vector<16xi32>
    %add3A_104 = arith.addi %mul3A_103, %iota3A : vector<16xi32>
    %mul3A_105 = arith.constant 128 : i32
    %mul3A_106 = vector.broadcast %mul3A_105 : i32 to vector<16xi32>
    %mul3A_107 = arith.muli %and3A_16, %mul3A_106 : vector<16xi32>
    %add3A_108 = arith.addi %mul3A_107, %iota3A : vector<16xi32>
    %mul3A_109 = arith.constant 128 : i32
    %mul3A_110 = vector.broadcast %mul3A_109 : i32 to vector<16xi32>
    %mul3A_111 = arith.muli %and3A_22, %mul3A_110 : vector<16xi32>
    %add3A_112 = arith.addi %mul3A_111, %iota3A : vector<16xi32>
    %mul3A_113 = arith.constant 128 : i32
    %mul3A_114 = vector.broadcast %mul3A_113 : i32 to vector<16xi32>
    %mul3A_115 = arith.muli %and3A_28, %mul3A_114 : vector<16xi32>
    %add3A_116 = arith.addi %mul3A_115, %iota3A : vector<16xi32>
    %mul3A_117 = arith.constant 128 : i32
    %mul3A_118 = vector.broadcast %mul3A_117 : i32 to vector<16xi32>
    %mul3A_119 = arith.muli %and3A_34, %mul3A_118 : vector<16xi32>
    %add3A_120 = arith.addi %mul3A_119, %iota3A : vector<16xi32>
    %mul3A_121 = arith.constant 128 : i32
    %mul3A_122 = vector.broadcast %mul3A_121 : i32 to vector<16xi32>
    %mul3A_123 = arith.muli %and3A_40, %mul3A_122 : vector<16xi32>
    %add3A_124 = arith.addi %mul3A_123, %iota3A : vector<16xi32>
    %mul3A_125 = arith.constant 128 : i32
    %mul3A_126 = vector.broadcast %mul3A_125 : i32 to vector<16xi32>
    %mul3A_127 = arith.muli %and3A_46, %mul3A_126 : vector<16xi32>
    %add3A_128 = arith.addi %mul3A_127, %iota3A : vector<16xi32>
    %mul3A_129 = arith.constant 128 : i32
    %mul3A_130 = vector.broadcast %mul3A_129 : i32 to vector<16xi32>
    %mul3A_131 = arith.muli %and3A_52, %mul3A_130 : vector<16xi32>
    %add3A_132 = arith.addi %mul3A_131, %iota3A : vector<16xi32>
    %mul3A_133 = arith.constant 128 : i32
    %mul3A_134 = vector.broadcast %mul3A_133 : i32 to vector<16xi32>
    %mul3A_135 = arith.muli %and3A_58, %mul3A_134 : vector<16xi32>
    %add3A_136 = arith.addi %mul3A_135, %iota3A : vector<16xi32>
    %mul3A_137 = arith.constant 128 : i32
    %mul3A_138 = vector.broadcast %mul3A_137 : i32 to vector<16xi32>
    %mul3A_139 = arith.muli %and3A_64, %mul3A_138 : vector<16xi32>
    %add3A_140 = arith.addi %mul3A_139, %iota3A : vector<16xi32>
    %mul3A_141 = arith.constant 128 : i32
    %mul3A_142 = vector.broadcast %mul3A_141 : i32 to vector<16xi32>
    %mul3A_143 = arith.muli %and3A_70, %mul3A_142 : vector<16xi32>
    %add3A_144 = arith.addi %mul3A_143, %iota3A : vector<16xi32>
    %mul3A_145 = arith.constant 128 : i32
    %mul3A_146 = vector.broadcast %mul3A_145 : i32 to vector<16xi32>
    %mul3A_147 = arith.muli %and3A_76, %mul3A_146 : vector<16xi32>
    %add3A_148 = arith.addi %mul3A_147, %iota3A : vector<16xi32>
    %mul3A_149 = arith.constant 128 : i32
    %mul3A_150 = vector.broadcast %mul3A_149 : i32 to vector<16xi32>
    %mul3A_151 = arith.muli %and3A_82, %mul3A_150 : vector<16xi32>
    %add3A_152 = arith.addi %mul3A_151, %iota3A : vector<16xi32>
    %mul3A_153 = arith.constant 128 : i32
    %mul3A_154 = vector.broadcast %mul3A_153 : i32 to vector<16xi32>
    %mul3A_155 = arith.muli %and3A_88, %mul3A_154 : vector<16xi32>
    %add3A_156 = arith.addi %mul3A_155, %iota3A : vector<16xi32>
    %mul3A_157 = arith.constant 128 : i32
    %mul3A_158 = vector.broadcast %mul3A_157 : i32 to vector<16xi32>
    %mul3A_159 = arith.muli %and3A_94, %mul3A_158 : vector<16xi32>
    %add3A_160 = arith.addi %mul3A_159, %iota3A : vector<16xi32>
    %mul3A_161 = arith.constant 128 : i32
    %mul3A_162 = vector.broadcast %mul3A_161 : i32 to vector<16xi32>
    %mul3A_163 = arith.muli %and3A_100, %mul3A_162 : vector<16xi32>
    %add3A_164 = arith.addi %mul3A_163, %iota3A : vector<16xi32>
    %swap3A = arith.constant 25600 : index
    %swap3A_165 = tpu.vector_load %arg5[%swap3A] {strides = array<i32>} : memref<25728xi32, #tpu.memory_space<vmem>>, vector<16xi32>,
    tpu.vector_store %arg5[%swap3A], %broadcast_in_dim3A_5 {strides = array<i32>} : memref<25728xi32, #tpu.memory_space<vmem>>, vector<16xi32>,
    %swap3A_166 = arith.constant 25616 : index
    %swap3A_167 = tpu.vector_load %arg5[%swap3A_166] {strides = array<i32>} : memref<25728xi32, #tpu.memory_space<vmem>>, vector<16xi32>,
    tpu.vector_store %arg5[%swap3A_166], %broadcast_in_dim3A_5 {strides = array<i32>} : memref<25728xi32, #tpu.memory_space<vmem>>, vector<16xi32>,
    %swap3A_168 = arith.constant 25632 : index
    %swap3A_169 = tpu.vector_load %arg5[%swap3A_168] {strides = array<i32>} : memref<25728xi32, #tpu.memory_space<vmem>>, vector<16xi32>,
    tpu.vector_store %arg5[%swap3A_168], %broadcast_in_dim3A_5 {strides = array<i32>} : memref<25728xi32, #tpu.memory_space<vmem>>, vector<16xi32>,
    %swap3A_170 = arith.constant 25648 : index
    %swap3A_171 = tpu.vector_load %arg5[%swap3A_170] {strides = array<i32>} : memref<25728xi32, #tpu.memory_space<vmem>>, vector<16xi32>,
    tpu.vector_store %arg5[%swap3A_170], %broadcast_in_dim3A_5 {strides = array<i32>} : memref<25728xi32, #tpu.memory_space<vmem>>, vector<16xi32>,
    %swap3A_172 = arith.constant 25664 : index
    %swap3A_173 = tpu.vector_load %arg5[%swap3A_172] {strides = array<i32>} : memref<25728xi32, #tpu.memory_space<vmem>>, vector<16xi32>,
    tpu.vector_store %arg5[%swap3A_172], %broadcast_in_dim3A_5 {strides = array<i32>} : memref<25728xi32, #tpu.memory_space<vmem>>, vector<16xi32>,
    %swap3A_174 = arith.constant 25680 : index
    %swap3A_175 = tpu.vector_load %arg5[%swap3A_174] {strides = array<i32>} : memref<25728xi32, #tpu.memory_space<vmem>>, vector<16xi32>,
    tpu.vector_store %arg5[%swap3A_174], %broadcast_in_dim3A_5 {strides = array<i32>} : memref<25728xi32, #tpu.memory_space<vmem>>, vector<16xi32>,
    %swap3A_176 = arith.constant 25696 : index
    %swap3A_177 = tpu.vector_load %arg5[%swap3A_176] {strides = array<i32>} : memref<25728xi32, #tpu.memory_space<vmem>>, vector<16xi32>,
    tpu.vector_store %arg5[%swap3A_176], %broadcast_in_dim3A_5 {strides = array<i32>} : memref<25728xi32, #tpu.memory_space<vmem>>, vector<16xi32>,
    %swap3A_178 = arith.constant 25712 : index
    %swap3A_179 = tpu.vector_load %arg5[%swap3A_178] {strides = array<i32>} : memref<25728xi32, #tpu.memory_space<vmem>>, vector<16xi32>,
    tpu.vector_store %arg5[%swap3A_178], %broadcast_in_dim3A_5 {strides = array<i32>} : memref<25728xi32, #tpu.memory_space<vmem>>, vector<16xi32>,
    "tpu.region"() ({
      %run_scoped3A = tpu.sem_alloc : memref<!tpu.dma_semaphore, #tpu.memory_space<semaphore_mem>>
      %dma_start3A = arith.constant 0 : i32
      %dma_start3A_210 = tpu.memref_slice %arg5[%dma_start3A] : memref<25728xi32, #tpu.memory_space<vmem>> -> memref<25600xi32, #tpu.memory_space<vmem>>
      %dma_start3A_211 = tpu.memref_slice %arg2[%mul3A_2] : memref<819200xi32, #tpu.memory_space<hbm>> -> memref<25600xi32, #tpu.memory_space<hbm>>
      %dma_start3A_212 = arith.constant 0 : i32
      %dma_start3A_213 = tpu.memref_slice %arg5[%dma_start3A_212] : memref<25728xi32, #tpu.memory_space<vmem>> -> memref<25600xi32, #tpu.memory_space<vmem>>
      %dma_start3A_214 = tpu.memref_slice %arg2[%mul3A_2] : memref<819200xi32, #tpu.memory_space<hbm>> -> memref<25600xi32, #tpu.memory_space<hbm>>
      tpu.enqueue_dma source(%dma_start3A_214 : memref<25600xi32, #tpu.memory_space<hbm>>) target(%dma_start3A_213 : memref<25600xi32, #tpu.memory_space<vmem>>) target_semaphore(%run_scoped3A : memref<!tpu.dma_semaphore, #tpu.memory_space<semaphore_mem>>)
      %dma_wait3A_215 = arith.constant 0 : i32
      %dma_wait3A_216 = tpu.memref_slice %arg5[%dma_wait3A_215] : memref<25728xi32, #tpu.memory_space<vmem>> -> memref<25600xi32, #tpu.memory_space<vmem>>
      %dma_wait3A_217 = tpu.memref_slice %arg2[%mul3A_2] : memref<819200xi32, #tpu.memory_space<hbm>> -> memref<25600xi32, #tpu.memory_space<hbm>>
      %dma_wait3A_218 = arith.constant 0 : i32
      %dma_wait3A_219 = tpu.memref_slice %arg5[%dma_wait3A_218] : memref<25728xi32, #tpu.memory_space<vmem>> -> memref<25600xi32, #tpu.memory_space<vmem>>
      %dma_wait3A_220 = tpu.memref_slice %arg2[%mul3A_2] : memref<819200xi32, #tpu.memory_space<hbm>> -> memref<25600xi32, #tpu.memory_space<hbm>>
      tpu.wait_dma2 semaphore(%run_scoped3A : memref<!tpu.dma_semaphore, #tpu.memory_space<semaphore_mem>>) src(%dma_wait3A_220 : memref<25600xi32, #tpu.memory_space<hbm>>) dst(%dma_wait3A_219 : memref<25600xi32, #tpu.memory_space<vmem>>)
      tpu.yield
    }) : () -> ()
    %scan3A = arith.constant 0 : i32
    %scan3A_180 = arith.constant 0 : i32
    %scan3A_181 = arith.constant 25 : i32
    %scan3A_182 = arith.addi %scan3A_180, %scan3A_181 : i32
    %scan3A_183 = arith.constant 1 : i32
    scf.for %scan3A_210 = %scan3A_180 to %scan3A_182 step %scan3A_183  : i32 {
      %ge3A = arith.constant 1 : i32
      %ge3A_211 = arith.cmpi sge, %scan3A_210, %ge3A : i32
      %mul3A_212 = arith.constant 2 : i32
      %mul3A_213 = arith.muli %mul3A_212, %scan3A_210 : i32
      %mul3A_214 = arith.constant 4 : i32
      %mul3A_215 = arith.muli %mul3A_214, %mul3A_213 : i32
      %add3A_216 = arith.addi %mul3A_4, %mul3A_215 : i32
      %jit3A = arith.constant 128 : i32
      %div3A = arith.divsi %add3A_216, %jit3A : i32
      %sign3A = arith.constant 0 : i32
      %sign3A_217 = arith.cmpi sgt, %add3A_216, %sign3A : i32
      %sign3A_218 = arith.extui %sign3A_217 : i1 to i32
      %sign3A_219 = arith.constant 0 : i32
      %sign3A_220 = arith.cmpi slt, %add3A_216, %sign3A_219 : i32
      %sign3A_221 = arith.extui %sign3A_220 : i1 to i32
      %sign3A_222 = arith.subi %sign3A_218, %sign3A_221 : i32
      %sign3A_223 = arith.constant 0 : i32
      %sign3A_224 = arith.cmpi sgt, %jit3A, %sign3A_223 : i32
      %sign3A_225 = arith.extui %sign3A_224 : i1 to i32
      %sign3A_226 = arith.constant 0 : i32
      %sign3A_227 = arith.cmpi slt, %jit3A, %sign3A_226 : i32
      %sign3A_228 = arith.extui %sign3A_227 : i1 to i32
      %sign3A_229 = arith.subi %sign3A_225, %sign3A_228 : i32
      %ne3A = arith.cmpi ne, %sign3A_222, %sign3A_229 : i32
      %rem3A = arith.remsi %add3A_216, %jit3A : i32
      %ne3A_230 = arith.constant 0 : i32
      %ne3A_231 = arith.cmpi ne, %rem3A, %ne3A_230 : i32
      %and3A_232 = arith.andi %ne3A, %ne3A_231 : i1
      %sub3A = arith.constant 1 : i32
      %sub3A_233 = arith.subi %div3A, %sub3A : i32
      %select_n3A = arith.select %and3A_232, %sub3A_233, %div3A : i32
      %jit3A_234 = arith.constant 128 : i32
      %eq3A = arith.constant 0 : i32
      %eq3A_235 = arith.cmpi eq, %jit3A_234, %eq3A : i32
      %jit3A_236 = arith.constant 1 : i32
      %select_n3A_237 = arith.select %eq3A_235, %jit3A_236, %jit3A_234 : i32
      %rem3A_238 = arith.remsi %add3A_216, %select_n3A_237 : i32
      %ne3A_239 = arith.constant 0 : i32
      %ne3A_240 = arith.cmpi ne, %rem3A_238, %ne3A_239 : i32
      %lt3A = arith.constant 0 : i32
      %lt3A_241 = arith.cmpi slt, %rem3A_238, %lt3A : i32
      %lt3A_242 = arith.constant 0 : i32
      %lt3A_243 = arith.cmpi slt, %select_n3A_237, %lt3A_242 : i32
      %ne3A_244 = arith.xori %lt3A_241, %lt3A_243 : i1
      %and3A_245 = arith.andi %ne3A_244, %ne3A_240 : i1
      %add3A_246 = arith.addi %rem3A_238, %select_n3A_237 : i32
      %select_n3A_247 = arith.select %and3A_245, %add3A_246, %rem3A_238 : i32
      %convert_element_type3A = arith.extui %ge3A_211 : i1 to i32
      %cond3A = arith.constant 0 : i32
      %cond3A_248 = arith.cmpi ne, %convert_element_type3A, %cond3A : i32
      scf.if %cond3A_248 {
        %dma_wait3A_332 = arith.constant 0 : i32
        %dma_wait3A_333 = arith.constant 0 : i32
        %dma_wait3A_334 = arith.constant 0 : i32
        %dma_wait3A_335 = arith.constant 0 : i32
        %dma_wait3A_336 = tpu.memref_slice %arg7[%dma_wait3A_335] : memref<32768xf32, #tpu.memory_space<vmem>> -> memref<1024xf32, #tpu.memory_space<vmem>>
        %dma_wait3A_337 = arith.constant 0 : i32
        %dma_wait3A_338 = tpu.memref_slice %arg4[%dma_wait3A_332, %dma_wait3A_333, %dma_wait3A_334, %dma_wait3A_337] : memref<50x8x128x1024xf32, #tpu.memory_space<hbm>> -> memref<1x1x1x1024xf32, #tpu.memory_space<hbm>>
        %dma_wait3A_339 = tpu.memref_squeeze %dma_wait3A_338 : memref<1x1x1x1024xf32, #tpu.memory_space<hbm>> -> memref<1024xf32, #tpu.memory_space<hbm>>
        %dma_wait3A_340 = arith.constant 0 : i32
        %dma_wait3A_341 = tpu.memref_slice %arg7[%dma_wait3A_340] : memref<32768xf32, #tpu.memory_space<vmem>> -> memref<1024xf32, #tpu.memory_space<vmem>>
        %dma_wait3A_342 = arith.constant 0 : i32
        %dma_wait3A_343 = tpu.memref_slice %arg4[%dma_wait3A_332, %dma_wait3A_333, %dma_wait3A_334, %dma_wait3A_342] : memref<50x8x128x1024xf32, #tpu.memory_space<hbm>> -> memref<1x1x1x1024xf32, #tpu.memory_space<hbm>>
        %dma_wait3A_344 = tpu.memref_squeeze %dma_wait3A_343 : memref<1x1x1x1024xf32, #tpu.memory_space<hbm>> -> memref<1024xf32, #tpu.memory_space<hbm>>
        tpu.wait_dma2 semaphore(%arg10 : memref<!tpu.dma_semaphore, #tpu.memory_space<semaphore_mem>>) src(%dma_wait3A_344 : memref<1024xf32, #tpu.memory_space<hbm>>) dst(%dma_wait3A_341 : memref<1024xf32, #tpu.memory_space<vmem>>)
      } else {
      }
      %scan3A_249 = arith.constant 0 : i32
      %scan3A_250 = arith.constant 0 : i32
      %scan3A_251 = arith.constant 4 : i32
      %scan3A_252 = arith.addi %scan3A_250, %scan3A_251 : i32
      %scan3A_253 = arith.constant 1 : i32
      scf.for %scan3A_332 = %scan3A_250 to %scan3A_252 step %scan3A_253  : i32 {
        %mul3A_333 = arith.constant 4 : i32
        %mul3A_334 = arith.muli %mul3A_333, %mul3A_213 : i32
        %add3A_335 = arith.addi %mul3A_334, %scan3A_332 : i32
        %and3A_336 = arith.constant 1 : i32
        %and3A_337 = arith.andi %add3A_335, %and3A_336 : i32
        %broadcast_in_dim3A_338 = vector.broadcast %and3A_337 : i32 to vector<16xi32>
        %mul3A_339 = arith.constant 8192 : i32
        %mul3A_340 = arith.muli %scan3A_332, %mul3A_339 : i32
        %scan3A_341 = arith.constant 0 : i32
        %scan3A_342 = arith.constant 0 : i32
        %scan3A_343 = arith.constant 32 : i32
        %scan3A_344 = arith.addi %scan3A_342, %scan3A_343 : i32
        %scan3A_345 = arith.constant 1 : i32
        scf.for %scan3A_347 = %scan3A_342 to %scan3A_344 step %scan3A_345  : i32 {
          %jit3A_348 = arith.constant 4 : i32
          %div3A_349 = arith.divsi %scan3A_347, %jit3A_348 : i32
          %sign3A_350 = arith.constant 0 : i32
          %sign3A_351 = arith.cmpi sgt, %scan3A_347, %sign3A_350 : i32
          %sign3A_352 = arith.extui %sign3A_351 : i1 to i32
          %sign3A_353 = arith.constant 0 : i32
          %sign3A_354 = arith.cmpi slt, %scan3A_347, %sign3A_353 : i32
          %sign3A_355 = arith.extui %sign3A_354 : i1 to i32
          %sign3A_356 = arith.subi %sign3A_352, %sign3A_355 : i32
          %sign3A_357 = arith.constant 0 : i32
          %sign3A_358 = arith.cmpi sgt, %jit3A_348, %sign3A_357 : i32
          %sign3A_359 = arith.extui %sign3A_358 : i1 to i32
          %sign3A_360 = arith.constant 0 : i32
          %sign3A_361 = arith.cmpi slt, %jit3A_348, %sign3A_360 : i32
          %sign3A_362 = arith.extui %sign3A_361 : i1 to i32
          %sign3A_363 = arith.subi %sign3A_359, %sign3A_362 : i32
          %ne3A_364 = arith.cmpi ne, %sign3A_356, %sign3A_363 : i32
          %rem3A_365 = arith.remsi %scan3A_347, %jit3A_348 : i32
          %ne3A_366 = arith.constant 0 : i32
          %ne3A_367 = arith.cmpi ne, %rem3A_365, %ne3A_366 : i32
          %and3A_368 = arith.andi %ne3A_364, %ne3A_367 : i1
          %sub3A_369 = arith.constant 1 : i32
          %sub3A_370 = arith.subi %div3A_349, %sub3A_369 : i32
          %select_n3A_371 = arith.select %and3A_368, %sub3A_370, %div3A_349 : i32
          %mul3A_372 = arith.constant 16 : i32
          %mul3A_373 = arith.muli %select_n3A_371, %mul3A_372 : i32
          %jit3A_374 = arith.constant 4 : i32
          %eq3A_375 = arith.constant 0 : i32
          %eq3A_376 = arith.cmpi eq, %jit3A_374, %eq3A_375 : i32
          %jit3A_377 = arith.constant 1 : i32
          %select_n3A_378 = arith.select %eq3A_376, %jit3A_377, %jit3A_374 : i32
          %rem3A_379 = arith.remsi %scan3A_347, %select_n3A_378 : i32
          %ne3A_380 = arith.constant 0 : i32
          %ne3A_381 = arith.cmpi ne, %rem3A_379, %ne3A_380 : i32
          %lt3A_382 = arith.constant 0 : i32
          %lt3A_383 = arith.cmpi slt, %rem3A_379, %lt3A_382 : i32
          %lt3A_384 = arith.constant 0 : i32
          %lt3A_385 = arith.cmpi slt, %select_n3A_378, %lt3A_384 : i32
          %ne3A_386 = arith.xori %lt3A_383, %lt3A_385 : i1
          %and3A_387 = arith.andi %ne3A_386, %ne3A_381 : i1
          %add3A_388 = arith.addi %rem3A_379, %select_n3A_378 : i32
          %select_n3A_389 = arith.select %and3A_387, %add3A_388, %rem3A_379 : i32
          %mul3A_390 = arith.constant 16 : i32
          %mul3A_391 = arith.muli %select_n3A_389, %mul3A_390 : i32
          %add3A_392 = vector.broadcast %mul3A_373 : i32 to vector<16xi32>
          %add3A_393 = arith.addi %iota3A, %add3A_392 : vector<16xi32>
          %broadcast_in_dim3A_394 = vector.broadcast %mul3A_391 : i32 to vector<16xi32>
          %mul3A_395 = arith.constant 128 : i32
          %mul3A_396 = arith.muli %mul3A_395, %mul3A_391 : i32
          %add3A_397 = arith.addi %mul3A_340, %mul3A_396 : i32
          %add3A_398 = arith.addi %add3A_397, %mul3A_373 : i32
          %broadcast_in_dim3A_399 = vector.broadcast %add3A_398 : i32 to vector<16xi32>
          %add3A_400 = arith.addi %and3A_10, %broadcast_in_dim3A_394 : vector<16xi32>
          %gather3A = tpu.vector_load_idx %arg6[%broadcast_in_dim3A_338, %add3A_393, %add3A_400] : memref<2x128x64xf32, #tpu.memory_space<vmem>>[vector<16xi32>, vector<16xi32>, vector<16xi32>], vector<16xf32>,
          %add3A_401 = arith.addi %add3A_104, %broadcast_in_dim3A_399 : vector<16xi32>
          tpu.vector_store_idx %arg7[%add3A_401], %gather3A : memref<32768xf32, #tpu.memory_space<vmem>>[vector<16xi32>], vector<16xf32>,
          %add3A_402 = arith.addi %and3A_16, %broadcast_in_dim3A_394 : vector<16xi32>
          %gather3A_403 = tpu.vector_load_idx %arg6[%broadcast_in_dim3A_338, %add3A_393, %add3A_402] : memref<2x128x64xf32, #tpu.memory_space<vmem>>[vector<16xi32>, vector<16xi32>, vector<16xi32>], vector<16xf32>,
          %add3A_404 = arith.addi %add3A_108, %broadcast_in_dim3A_399 : vector<16xi32>
          tpu.vector_store_idx %arg7[%add3A_404], %gather3A_403 : memref<32768xf32, #tpu.memory_space<vmem>>[vector<16xi32>], vector<16xf32>,
          %add3A_405 = arith.addi %and3A_22, %broadcast_in_dim3A_394 : vector<16xi32>
          %gather3A_406 = tpu.vector_load_idx %arg6[%broadcast_in_dim3A_338, %add3A_393, %add3A_405] : memref<2x128x64xf32, #tpu.memory_space<vmem>>[vector<16xi32>, vector<16xi32>, vector<16xi32>], vector<16xf32>,
          %add3A_407 = arith.addi %add3A_112, %broadcast_in_dim3A_399 : vector<16xi32>
          tpu.vector_store_idx %arg7[%add3A_407], %gather3A_406 : memref<32768xf32, #tpu.memory_space<vmem>>[vector<16xi32>], vector<16xf32>,
          %add3A_408 = arith.addi %and3A_28, %broadcast_in_dim3A_394 : vector<16xi32>
          %gather3A_409 = tpu.vector_load_idx %arg6[%broadcast_in_dim3A_338, %add3A_393, %add3A_408] : memref<2x128x64xf32, #tpu.memory_space<vmem>>[vector<16xi32>, vector<16xi32>, vector<16xi32>], vector<16xf32>,
          %add3A_410 = arith.addi %add3A_116, %broadcast_in_dim3A_399 : vector<16xi32>
          tpu.vector_store_idx %arg7[%add3A_410], %gather3A_409 : memref<32768xf32, #tpu.memory_space<vmem>>[vector<16xi32>], vector<16xf32>,
          %add3A_411 = arith.addi %and3A_34, %broadcast_in_dim3A_394 : vector<16xi32>
          %gather3A_412 = tpu.vector_load_idx %arg6[%broadcast_in_dim3A_338, %add3A_393, %add3A_411] : memref<2x128x64xf32, #tpu.memory_space<vmem>>[vector<16xi32>, vector<16xi32>, vector<16xi32>], vector<16xf32>,
          %add3A_413 = arith.addi %add3A_120, %broadcast_in_dim3A_399 : vector<16xi32>
          tpu.vector_store_idx %arg7[%add3A_413], %gather3A_412 : memref<32768xf32, #tpu.memory_space<vmem>>[vector<16xi32>], vector<16xf32>,
          %add3A_414 = arith.addi %and3A_40, %broadcast_in_dim3A_394 : vector<16xi32>
          %gather3A_415 = tpu.vector_load_idx %arg6[%broadcast_in_dim3A_338, %add3A_393, %add3A_414] : memref<2x128x64xf32, #tpu.memory_space<vmem>>[vector<16xi32>, vector<16xi32>, vector<16xi32>], vector<16xf32>,
          %add3A_416 = arith.addi %add3A_124, %broadcast_in_dim3A_399 : vector<16xi32>
          tpu.vector_store_idx %arg7[%add3A_416], %gather3A_415 : memref<32768xf32, #tpu.memory_space<vmem>>[vector<16xi32>], vector<16xf32>,
          %add3A_417 = arith.addi %and3A_46, %broadcast_in_dim3A_394 : vector<16xi32>
          %gather3A_418 = tpu.vector_load_idx %arg6[%broadcast_in_dim3A_338, %add3A_393, %add3A_417] : memref<2x128x64xf32, #tpu.memory_space<vmem>>[vector<16xi32>, vector<16xi32>, vector<16xi32>], vector<16xf32>,
          %add3A_419 = arith.addi %add3A_128, %broadcast_in_dim3A_399 : vector<16xi32>
          tpu.vector_store_idx %arg7[%add3A_419], %gather3A_418 : memref<32768xf32, #tpu.memory_space<vmem>>[vector<16xi32>], vector<16xf32>,
          %add3A_420 = arith.addi %and3A_52, %broadcast_in_dim3A_394 : vector<16xi32>
          %gather3A_421 = tpu.vector_load_idx %arg6[%broadcast_in_dim3A_338, %add3A_393, %add3A_420] : memref<2x128x64xf32, #tpu.memory_space<vmem>>[vector<16xi32>, vector<16xi32>, vector<16xi32>], vector<16xf32>,
          %add3A_422 = arith.addi %add3A_132, %broadcast_in_dim3A_399 : vector<16xi32>
          tpu.vector_store_idx %arg7[%add3A_422], %gather3A_421 : memref<32768xf32, #tpu.memory_space<vmem>>[vector<16xi32>], vector<16xf32>,
          %add3A_423 = arith.addi %and3A_58, %broadcast_in_dim3A_394 : vector<16xi32>
          %gather3A_424 = tpu.vector_load_idx %arg6[%broadcast_in_dim3A_338, %add3A_393, %add3A_423] : memref<2x128x64xf32, #tpu.memory_space<vmem>>[vector<16xi32>, vector<16xi32>, vector<16xi32>], vector<16xf32>,
          %add3A_425 = arith.addi %add3A_136, %broadcast_in_dim3A_399 : vector<16xi32>
          tpu.vector_store_idx %arg7[%add3A_425], %gather3A_424 : memref<32768xf32, #tpu.memory_space<vmem>>[vector<16xi32>], vector<16xf32>,
          %add3A_426 = arith.addi %and3A_64, %broadcast_in_dim3A_394 : vector<16xi32>
          %gather3A_427 = tpu.vector_load_idx %arg6[%broadcast_in_dim3A_338, %add3A_393, %add3A_426] : memref<2x128x64xf32, #tpu.memory_space<vmem>>[vector<16xi32>, vector<16xi32>, vector<16xi32>], vector<16xf32>,
          %add3A_428 = arith.addi %add3A_140, %broadcast_in_dim3A_399 : vector<16xi32>
          tpu.vector_store_idx %arg7[%add3A_428], %gather3A_427 : memref<32768xf32, #tpu.memory_space<vmem>>[vector<16xi32>], vector<16xf32>,
          %add3A_429 = arith.addi %and3A_70, %broadcast_in_dim3A_394 : vector<16xi32>
          %gather3A_430 = tpu.vector_load_idx %arg6[%broadcast_in_dim3A_338, %add3A_393, %add3A_429] : memref<2x128x64xf32, #tpu.memory_space<vmem>>[vector<16xi32>, vector<16xi32>, vector<16xi32>], vector<16xf32>,
          %add3A_431 = arith.addi %add3A_144, %broadcast_in_dim3A_399 : vector<16xi32>
          tpu.vector_store_idx %arg7[%add3A_431], %gather3A_430 : memref<32768xf32, #tpu.memory_space<vmem>>[vector<16xi32>], vector<16xf32>,
          %add3A_432 = arith.addi %and3A_76, %broadcast_in_dim3A_394 : vector<16xi32>
          %gather3A_433 = tpu.vector_load_idx %arg6[%broadcast_in_dim3A_338, %add3A_393, %add3A_432] : memref<2x128x64xf32, #tpu.memory_space<vmem>>[vector<16xi32>, vector<16xi32>, vector<16xi32>], vector<16xf32>,
          %add3A_434 = arith.addi %add3A_148, %broadcast_in_dim3A_399 : vector<16xi32>
          tpu.vector_store_idx %arg7[%add3A_434], %gather3A_433 : memref<32768xf32, #tpu.memory_space<vmem>>[vector<16xi32>], vector<16xf32>,
          %add3A_435 = arith.addi %and3A_82, %broadcast_in_dim3A_394 : vector<16xi32>
          %gather3A_436 = tpu.vector_load_idx %arg6[%broadcast_in_dim3A_338, %add3A_393, %add3A_435] : memref<2x128x64xf32, #tpu.memory_space<vmem>>[vector<16xi32>, vector<16xi32>, vector<16xi32>], vector<16xf32>,
          %add3A_437 = arith.addi %add3A_152, %broadcast_in_dim3A_399 : vector<16xi32>
          tpu.vector_store_idx %arg7[%add3A_437], %gather3A_436 : memref<32768xf32, #tpu.memory_space<vmem>>[vector<16xi32>], vector<16xf32>,
          %add3A_438 = arith.addi %and3A_88, %broadcast_in_dim3A_394 : vector<16xi32>
          %gather3A_439 = tpu.vector_load_idx %arg6[%broadcast_in_dim3A_338, %add3A_393, %add3A_438] : memref<2x128x64xf32, #tpu.memory_space<vmem>>[vector<16xi32>, vector<16xi32>, vector<16xi32>], vector<16xf32>,
          %add3A_440 = arith.addi %add3A_156, %broadcast_in_dim3A_399 : vector<16xi32>
          tpu.vector_store_idx %arg7[%add3A_440], %gather3A_439 : memref<32768xf32, #tpu.memory_space<vmem>>[vector<16xi32>], vector<16xf32>,
          %add3A_441 = arith.addi %and3A_94, %broadcast_in_dim3A_394 : vector<16xi32>
          %gather3A_442 = tpu.vector_load_idx %arg6[%broadcast_in_dim3A_338, %add3A_393, %add3A_441] : memref<2x128x64xf32, #tpu.memory_space<vmem>>[vector<16xi32>, vector<16xi32>, vector<16xi32>], vector<16xf32>,
          %add3A_443 = arith.addi %add3A_160, %broadcast_in_dim3A_399 : vector<16xi32>
          tpu.vector_store_idx %arg7[%add3A_443], %gather3A_442 : memref<32768xf32, #tpu.memory_space<vmem>>[vector<16xi32>], vector<16xf32>,
          %add3A_444 = arith.addi %and3A_100, %broadcast_in_dim3A_394 : vector<16xi32>
          %gather3A_445 = tpu.vector_load_idx %arg6[%broadcast_in_dim3A_338, %add3A_393, %add3A_444] : memref<2x128x64xf32, #tpu.memory_space<vmem>>[vector<16xi32>, vector<16xi32>, vector<16xi32>], vector<16xf32>,
          %add3A_446 = arith.addi %add3A_164, %broadcast_in_dim3A_399 : vector<16xi32>
          tpu.vector_store_idx %arg7[%add3A_446], %gather3A_445 : memref<32768xf32, #tpu.memory_space<vmem>>[vector<16xi32>], vector<16xf32>,
        }
        %scan3A_346 = arith.constant 32 : i32
      }
      %scan3A_254 = arith.constant 4 : i32
      %dma_start3A = arith.constant 0 : i32
      %dma_start3A_255 = arith.constant 0 : i32
      %dma_start3A_256 = tpu.memref_slice %arg7[%dma_start3A_255] : memref<32768xf32, #tpu.memory_space<vmem>> -> memref<1024xf32, #tpu.memory_space<vmem>>
      %dma_start3A_257 = arith.constant 0 : i32
      %dma_start3A_258 = tpu.memref_slice %arg4[%select_n3A, %dma_start3A, %select_n3A_247, %dma_start3A_257] : memref<50x8x128x1024xf32, #tpu.memory_space<hbm>> -> memref<1x1x1x1024xf32, #tpu.memory_space<hbm>>
      %dma_start3A_259 = tpu.memref_squeeze %dma_start3A_258 : memref<1x1x1x1024xf32, #tpu.memory_space<hbm>> -> memref<1024xf32, #tpu.memory_space<hbm>>
      %dma_start3A_260 = arith.constant 0 : i32
      %dma_start3A_261 = tpu.memref_slice %arg4[%select_n3A, %dma_start3A, %select_n3A_247, %dma_start3A_260] : memref<50x8x128x1024xf32, #tpu.memory_space<hbm>> -> memref<1x1x1x1024xf32, #tpu.memory_space<hbm>>
      %dma_start3A_262 = tpu.memref_squeeze %dma_start3A_261 : memref<1x1x1x1024xf32, #tpu.memory_space<hbm>> -> memref<1024xf32, #tpu.memory_space<hbm>>
      %dma_start3A_263 = arith.constant 0 : i32
      %dma_start3A_264 = tpu.memref_slice %arg7[%dma_start3A_263] : memref<32768xf32, #tpu.memory_space<vmem>> -> memref<1024xf32, #tpu.memory_space<vmem>>
      tpu.enqueue_dma source(%dma_start3A_264 : memref<1024xf32, #tpu.memory_space<vmem>>) target(%dma_start3A_262 : memref<1024xf32, #tpu.memory_space<hbm>>) target_semaphore(%arg10 : memref<!tpu.dma_semaphore, #tpu.memory_space<semaphore_mem>>)
      %mul3A_265 = arith.constant 2 : i32
      %mul3A_266 = arith.muli %mul3A_265, %scan3A_210 : i32
      %add3A_267 = arith.constant 1 : i32
      %add3A_268 = arith.addi %mul3A_266, %add3A_267 : i32
      %mul3A_269 = arith.constant 4 : i32
      %mul3A_270 = arith.muli %mul3A_269, %add3A_268 : i32
      %add3A_271 = arith.addi %mul3A_4, %mul3A_270 : i32
      %jit3A_272 = arith.constant 128 : i32
      %div3A_273 = arith.divsi %add3A_271, %jit3A_272 : i32
      %sign3A_274 = arith.constant 0 : i32
      %sign3A_275 = arith.cmpi sgt, %add3A_271, %sign3A_274 : i32
      %sign3A_276 = arith.extui %sign3A_275 : i1 to i32
      %sign3A_277 = arith.constant 0 : i32
      %sign3A_278 = arith.cmpi slt, %add3A_271, %sign3A_277 : i32
      %sign3A_279 = arith.extui %sign3A_278 : i1 to i32
      %sign3A_280 = arith.subi %sign3A_276, %sign3A_279 : i32
      %sign3A_281 = arith.constant 0 : i32
      %sign3A_282 = arith.cmpi sgt, %jit3A_272, %sign3A_281 : i32
      %sign3A_283 = arith.extui %sign3A_282 : i1 to i32
      %sign3A_284 = arith.constant 0 : i32
      %sign3A_285 = arith.cmpi slt, %jit3A_272, %sign3A_284 : i32
      %sign3A_286 = arith.extui %sign3A_285 : i1 to i32
      %sign3A_287 = arith.subi %sign3A_283, %sign3A_286 : i32
      %ne3A_288 = arith.cmpi ne, %sign3A_280, %sign3A_287 : i32
      %rem3A_289 = arith.remsi %add3A_271, %jit3A_272 : i32
      %ne3A_290 = arith.constant 0 : i32
      %ne3A_291 = arith.cmpi ne, %rem3A_289, %ne3A_290 : i32
      %and3A_292 = arith.andi %ne3A_288, %ne3A_291 : i1
      %sub3A_293 = arith.constant 1 : i32
      %sub3A_294 = arith.subi %div3A_273, %sub3A_293 : i32
      %select_n3A_295 = arith.select %and3A_292, %sub3A_294, %div3A_273 : i32
      %jit3A_296 = arith.constant 128 : i32
      %eq3A_297 = arith.constant 0 : i32
      %eq3A_298 = arith.cmpi eq, %jit3A_296, %eq3A_297 : i32
      %jit3A_299 = arith.constant 1 : i32
      %select_n3A_300 = arith.select %eq3A_298, %jit3A_299, %jit3A_296 : i32
      %rem3A_301 = arith.remsi %add3A_271, %select_n3A_300 : i32
      %ne3A_302 = arith.constant 0 : i32
      %ne3A_303 = arith.cmpi ne, %rem3A_301, %ne3A_302 : i32
      %lt3A_304 = arith.constant 0 : i32
      %lt3A_305 = arith.cmpi slt, %rem3A_301, %lt3A_304 : i32
      %lt3A_306 = arith.constant 0 : i32
      %lt3A_307 = arith.cmpi slt, %select_n3A_300, %lt3A_306 : i32
      %ne3A_308 = arith.xori %lt3A_305, %lt3A_307 : i1
      %and3A_309 = arith.andi %ne3A_308, %ne3A_303 : i1
      %add3A_310 = arith.addi %rem3A_301, %select_n3A_300 : i32
      %select_n3A_311 = arith.select %and3A_309, %add3A_310, %rem3A_301 : i32
      %convert_element_type3A_312 = arith.extui %ge3A_211 : i1 to i32
      %cond3A_313 = arith.constant 0 : i32
      %cond3A_314 = arith.cmpi ne, %convert_element_type3A_312, %cond3A_313 : i32
      scf.if %cond3A_314 {
        %dma_wait3A_332 = arith.constant 0 : i32
        %dma_wait3A_333 = arith.constant 0 : i32
        %dma_wait3A_334 = arith.constant 0 : i32
        %dma_wait3A_335 = arith.constant 0 : i32
        %dma_wait3A_336 = tpu.memref_slice %arg7[%dma_wait3A_335] : memref<32768xf32, #tpu.memory_space<vmem>> -> memref<1024xf32, #tpu.memory_space<vmem>>
        %dma_wait3A_337 = arith.constant 0 : i32
        %dma_wait3A_338 = tpu.memref_slice %arg4[%dma_wait3A_332, %dma_wait3A_333, %dma_wait3A_334, %dma_wait3A_337] : memref<50x8x128x1024xf32, #tpu.memory_space<hbm>> -> memref<1x1x1x1024xf32, #tpu.memory_space<hbm>>
        %dma_wait3A_339 = tpu.memref_squeeze %dma_wait3A_338 : memref<1x1x1x1024xf32, #tpu.memory_space<hbm>> -> memref<1024xf32, #tpu.memory_space<hbm>>
        %dma_wait3A_340 = arith.constant 0 : i32
        %dma_wait3A_341 = tpu.memref_slice %arg7[%dma_wait3A_340] : memref<32768xf32, #tpu.memory_space<vmem>> -> memref<1024xf32, #tpu.memory_space<vmem>>
        %dma_wait3A_342 = arith.constant 0 : i32
        %dma_wait3A_343 = tpu.memref_slice %arg4[%dma_wait3A_332, %dma_wait3A_333, %dma_wait3A_334, %dma_wait3A_342] : memref<50x8x128x1024xf32, #tpu.memory_space<hbm>> -> memref<1x1x1x1024xf32, #tpu.memory_space<hbm>>
        %dma_wait3A_344 = tpu.memref_squeeze %dma_wait3A_343 : memref<1x1x1x1024xf32, #tpu.memory_space<hbm>> -> memref<1024xf32, #tpu.memory_space<hbm>>
        tpu.wait_dma2 semaphore(%arg11 : memref<!tpu.dma_semaphore, #tpu.memory_space<semaphore_mem>>) src(%dma_wait3A_344 : memref<1024xf32, #tpu.memory_space<hbm>>) dst(%dma_wait3A_341 : memref<1024xf32, #tpu.memory_space<vmem>>)
      } else {
      }
      %scan3A_315 = arith.constant 0 : i32
      %scan3A_316 = arith.constant 0 : i32
      %scan3A_317 = arith.constant 4 : i32
      %scan3A_318 = arith.addi %scan3A_316, %scan3A_317 : i32
      %scan3A_319 = arith.constant 1 : i32
      scf.for %scan3A_332 = %scan3A_316 to %scan3A_318 step %scan3A_319  : i32 {
        %mul3A_333 = arith.constant 4 : i32
        %mul3A_334 = arith.muli %mul3A_333, %add3A_268 : i32
        %add3A_335 = arith.addi %mul3A_334, %scan3A_332 : i32
        %and3A_336 = arith.constant 1 : i32
        %and3A_337 = arith.andi %add3A_335, %and3A_336 : i32
        %broadcast_in_dim3A_338 = vector.broadcast %and3A_337 : i32 to vector<16xi32>
        %mul3A_339 = arith.constant 8192 : i32
        %mul3A_340 = arith.muli %scan3A_332, %mul3A_339 : i32
        %scan3A_341 = arith.constant 0 : i32
        %scan3A_342 = arith.constant 0 : i32
        %scan3A_343 = arith.constant 32 : i32
        %scan3A_344 = arith.addi %scan3A_342, %scan3A_343 : i32
        %scan3A_345 = arith.constant 1 : i32
        scf.for %scan3A_347 = %scan3A_342 to %scan3A_344 step %scan3A_345  : i32 {
          %jit3A_348 = arith.constant 4 : i32
          %div3A_349 = arith.divsi %scan3A_347, %jit3A_348 : i32
          %sign3A_350 = arith.constant 0 : i32
          %sign3A_351 = arith.cmpi sgt, %scan3A_347, %sign3A_350 : i32
          %sign3A_352 = arith.extui %sign3A_351 : i1 to i32
          %sign3A_353 = arith.constant 0 : i32
          %sign3A_354 = arith.cmpi slt, %scan3A_347, %sign3A_353 : i32
          %sign3A_355 = arith.extui %sign3A_354 : i1 to i32
          %sign3A_356 = arith.subi %sign3A_352, %sign3A_355 : i32
          %sign3A_357 = arith.constant 0 : i32
          %sign3A_358 = arith.cmpi sgt, %jit3A_348, %sign3A_357 : i32
          %sign3A_359 = arith.extui %sign3A_358 : i1 to i32
          %sign3A_360 = arith.constant 0 : i32
          %sign3A_361 = arith.cmpi slt, %jit3A_348, %sign3A_360 : i32
          %sign3A_362 = arith.extui %sign3A_361 : i1 to i32
          %sign3A_363 = arith.subi %sign3A_359, %sign3A_362 : i32
          %ne3A_364 = arith.cmpi ne, %sign3A_356, %sign3A_363 : i32
          %rem3A_365 = arith.remsi %scan3A_347, %jit3A_348 : i32
          %ne3A_366 = arith.constant 0 : i32
          %ne3A_367 = arith.cmpi ne, %rem3A_365, %ne3A_366 : i32
          %and3A_368 = arith.andi %ne3A_364, %ne3A_367 : i1
          %sub3A_369 = arith.constant 1 : i32
          %sub3A_370 = arith.subi %div3A_349, %sub3A_369 : i32
          %select_n3A_371 = arith.select %and3A_368, %sub3A_370, %div3A_349 : i32
          %mul3A_372 = arith.constant 16 : i32
          %mul3A_373 = arith.muli %select_n3A_371, %mul3A_372 : i32
          %jit3A_374 = arith.constant 4 : i32
          %eq3A_375 = arith.constant 0 : i32
          %eq3A_376 = arith.cmpi eq, %jit3A_374, %eq3A_375 : i32
          %jit3A_377 = arith.constant 1 : i32
          %select_n3A_378 = arith.select %eq3A_376, %jit3A_377, %jit3A_374 : i32
          %rem3A_379 = arith.remsi %scan3A_347, %select_n3A_378 : i32
          %ne3A_380 = arith.constant 0 : i32
          %ne3A_381 = arith.cmpi ne, %rem3A_379, %ne3A_380 : i32
          %lt3A_382 = arith.constant 0 : i32
          %lt3A_383 = arith.cmpi slt, %rem3A_379, %lt3A_382 : i32
          %lt3A_384 = arith.constant 0 : i32
          %lt3A_385 = arith.cmpi slt, %select_n3A_378, %lt3A_384 : i32
          %ne3A_386 = arith.xori %lt3A_383, %lt3A_385 : i1
          %and3A_387 = arith.andi %ne3A_386, %ne3A_381 : i1
          %add3A_388 = arith.addi %rem3A_379, %select_n3A_378 : i32
          %select_n3A_389 = arith.select %and3A_387, %add3A_388, %rem3A_379 : i32
          %mul3A_390 = arith.constant 16 : i32
          %mul3A_391 = arith.muli %select_n3A_389, %mul3A_390 : i32
          %add3A_392 = vector.broadcast %mul3A_373 : i32 to vector<16xi32>
          %add3A_393 = arith.addi %iota3A, %add3A_392 : vector<16xi32>
          %broadcast_in_dim3A_394 = vector.broadcast %mul3A_391 : i32 to vector<16xi32>
          %mul3A_395 = arith.constant 128 : i32
          %mul3A_396 = arith.muli %mul3A_395, %mul3A_391 : i32
          %add3A_397 = arith.addi %mul3A_340, %mul3A_396 : i32
          %add3A_398 = arith.addi %add3A_397, %mul3A_373 : i32
          %broadcast_in_dim3A_399 = vector.broadcast %add3A_398 : i32 to vector<16xi32>
          %add3A_400 = arith.addi %and3A_10, %broadcast_in_dim3A_394 : vector<16xi32>
          %gather3A = tpu.vector_load_idx %arg6[%broadcast_in_dim3A_338, %add3A_393, %add3A_400] : memref<2x128x64xf32, #tpu.memory_space<vmem>>[vector<16xi32>, vector<16xi32>, vector<16xi32>], vector<16xf32>,
          %add3A_401 = arith.addi %add3A_104, %broadcast_in_dim3A_399 : vector<16xi32>
          tpu.vector_store_idx %arg8[%add3A_401], %gather3A : memref<32768xf32, #tpu.memory_space<vmem>>[vector<16xi32>], vector<16xf32>,
          %add3A_402 = arith.addi %and3A_16, %broadcast_in_dim3A_394 : vector<16xi32>
          %gather3A_403 = tpu.vector_load_idx %arg6[%broadcast_in_dim3A_338, %add3A_393, %add3A_402] : memref<2x128x64xf32, #tpu.memory_space<vmem>>[vector<16xi32>, vector<16xi32>, vector<16xi32>], vector<16xf32>,
          %add3A_404 = arith.addi %add3A_108, %broadcast_in_dim3A_399 : vector<16xi32>
          tpu.vector_store_idx %arg8[%add3A_404], %gather3A_403 : memref<32768xf32, #tpu.memory_space<vmem>>[vector<16xi32>], vector<16xf32>,
          %add3A_405 = arith.addi %and3A_22, %broadcast_in_dim3A_394 : vector<16xi32>
          %gather3A_406 = tpu.vector_load_idx %arg6[%broadcast_in_dim3A_338, %add3A_393, %add3A_405] : memref<2x128x64xf32, #tpu.memory_space<vmem>>[vector<16xi32>, vector<16xi32>, vector<16xi32>], vector<16xf32>,
          %add3A_407 = arith.addi %add3A_112, %broadcast_in_dim3A_399 : vector<16xi32>
          tpu.vector_store_idx %arg8[%add3A_407], %gather3A_406 : memref<32768xf32, #tpu.memory_space<vmem>>[vector<16xi32>], vector<16xf32>,
          %add3A_408 = arith.addi %and3A_28, %broadcast_in_dim3A_394 : vector<16xi32>
          %gather3A_409 = tpu.vector_load_idx %arg6[%broadcast_in_dim3A_338, %add3A_393, %add3A_408] : memref<2x128x64xf32, #tpu.memory_space<vmem>>[vector<16xi32>, vector<16xi32>, vector<16xi32>], vector<16xf32>,
          %add3A_410 = arith.addi %add3A_116, %broadcast_in_dim3A_399 : vector<16xi32>
          tpu.vector_store_idx %arg8[%add3A_410], %gather3A_409 : memref<32768xf32, #tpu.memory_space<vmem>>[vector<16xi32>], vector<16xf32>,
          %add3A_411 = arith.addi %and3A_34, %broadcast_in_dim3A_394 : vector<16xi32>
          %gather3A_412 = tpu.vector_load_idx %arg6[%broadcast_in_dim3A_338, %add3A_393, %add3A_411] : memref<2x128x64xf32, #tpu.memory_space<vmem>>[vector<16xi32>, vector<16xi32>, vector<16xi32>], vector<16xf32>,
          %add3A_413 = arith.addi %add3A_120, %broadcast_in_dim3A_399 : vector<16xi32>
          tpu.vector_store_idx %arg8[%add3A_413], %gather3A_412 : memref<32768xf32, #tpu.memory_space<vmem>>[vector<16xi32>], vector<16xf32>,
          %add3A_414 = arith.addi %and3A_40, %broadcast_in_dim3A_394 : vector<16xi32>
          %gather3A_415 = tpu.vector_load_idx %arg6[%broadcast_in_dim3A_338, %add3A_393, %add3A_414] : memref<2x128x64xf32, #tpu.memory_space<vmem>>[vector<16xi32>, vector<16xi32>, vector<16xi32>], vector<16xf32>,
          %add3A_416 = arith.addi %add3A_124, %broadcast_in_dim3A_399 : vector<16xi32>
          tpu.vector_store_idx %arg8[%add3A_416], %gather3A_415 : memref<32768xf32, #tpu.memory_space<vmem>>[vector<16xi32>], vector<16xf32>,
          %add3A_417 = arith.addi %and3A_46, %broadcast_in_dim3A_394 : vector<16xi32>
          %gather3A_418 = tpu.vector_load_idx %arg6[%broadcast_in_dim3A_338, %add3A_393, %add3A_417] : memref<2x128x64xf32, #tpu.memory_space<vmem>>[vector<16xi32>, vector<16xi32>, vector<16xi32>], vector<16xf32>,
          %add3A_419 = arith.addi %add3A_128, %broadcast_in_dim3A_399 : vector<16xi32>
          tpu.vector_store_idx %arg8[%add3A_419], %gather3A_418 : memref<32768xf32, #tpu.memory_space<vmem>>[vector<16xi32>], vector<16xf32>,
          %add3A_420 = arith.addi %and3A_52, %broadcast_in_dim3A_394 : vector<16xi32>
          %gather3A_421 = tpu.vector_load_idx %arg6[%broadcast_in_dim3A_338, %add3A_393, %add3A_420] : memref<2x128x64xf32, #tpu.memory_space<vmem>>[vector<16xi32>, vector<16xi32>, vector<16xi32>], vector<16xf32>,
          %add3A_422 = arith.addi %add3A_132, %broadcast_in_dim3A_399 : vector<16xi32>
          tpu.vector_store_idx %arg8[%add3A_422], %gather3A_421 : memref<32768xf32, #tpu.memory_space<vmem>>[vector<16xi32>], vector<16xf32>,
          %add3A_423 = arith.addi %and3A_58, %broadcast_in_dim3A_394 : vector<16xi32>
          %gather3A_424 = tpu.vector_load_idx %arg6[%broadcast_in_dim3A_338, %add3A_393, %add3A_423] : memref<2x128x64xf32, #tpu.memory_space<vmem>>[vector<16xi32>, vector<16xi32>, vector<16xi32>], vector<16xf32>,
          %add3A_425 = arith.addi %add3A_136, %broadcast_in_dim3A_399 : vector<16xi32>
          tpu.vector_store_idx %arg8[%add3A_425], %gather3A_424 : memref<32768xf32, #tpu.memory_space<vmem>>[vector<16xi32>], vector<16xf32>,
          %add3A_426 = arith.addi %and3A_64, %broadcast_in_dim3A_394 : vector<16xi32>
          %gather3A_427 = tpu.vector_load_idx %arg6[%broadcast_in_dim3A_338, %add3A_393, %add3A_426] : memref<2x128x64xf32, #tpu.memory_space<vmem>>[vector<16xi32>, vector<16xi32>, vector<16xi32>], vector<16xf32>,
          %add3A_428 = arith.addi %add3A_140, %broadcast_in_dim3A_399 : vector<16xi32>
          tpu.vector_store_idx %arg8[%add3A_428], %gather3A_427 : memref<32768xf32, #tpu.memory_space<vmem>>[vector<16xi32>], vector<16xf32>,
          %add3A_429 = arith.addi %and3A_70, %broadcast_in_dim3A_394 : vector<16xi32>
          %gather3A_430 = tpu.vector_load_idx %arg6[%broadcast_in_dim3A_338, %add3A_393, %add3A_429] : memref<2x128x64xf32, #tpu.memory_space<vmem>>[vector<16xi32>, vector<16xi32>, vector<16xi32>], vector<16xf32>,
          %add3A_431 = arith.addi %add3A_144, %broadcast_in_dim3A_399 : vector<16xi32>
          tpu.vector_store_idx %arg8[%add3A_431], %gather3A_430 : memref<32768xf32, #tpu.memory_space<vmem>>[vector<16xi32>], vector<16xf32>,
          %add3A_432 = arith.addi %and3A_76, %broadcast_in_dim3A_394 : vector<16xi32>
          %gather3A_433 = tpu.vector_load_idx %arg6[%broadcast_in_dim3A_338, %add3A_393, %add3A_432] : memref<2x128x64xf32, #tpu.memory_space<vmem>>[vector<16xi32>, vector<16xi32>, vector<16xi32>], vector<16xf32>,
          %add3A_434 = arith.addi %add3A_148, %broadcast_in_dim3A_399 : vector<16xi32>
          tpu.vector_store_idx %arg8[%add3A_434], %gather3A_433 : memref<32768xf32, #tpu.memory_space<vmem>>[vector<16xi32>], vector<16xf32>,
          %add3A_435 = arith.addi %and3A_82, %broadcast_in_dim3A_394 : vector<16xi32>
          %gather3A_436 = tpu.vector_load_idx %arg6[%broadcast_in_dim3A_338, %add3A_393, %add3A_435] : memref<2x128x64xf32, #tpu.memory_space<vmem>>[vector<16xi32>, vector<16xi32>, vector<16xi32>], vector<16xf32>,
          %add3A_437 = arith.addi %add3A_152, %broadcast_in_dim3A_399 : vector<16xi32>
          tpu.vector_store_idx %arg8[%add3A_437], %gather3A_436 : memref<32768xf32, #tpu.memory_space<vmem>>[vector<16xi32>], vector<16xf32>,
          %add3A_438 = arith.addi %and3A_88, %broadcast_in_dim3A_394 : vector<16xi32>
          %gather3A_439 = tpu.vector_load_idx %arg6[%broadcast_in_dim3A_338, %add3A_393, %add3A_438] : memref<2x128x64xf32, #tpu.memory_space<vmem>>[vector<16xi32>, vector<16xi32>, vector<16xi32>], vector<16xf32>,
          %add3A_440 = arith.addi %add3A_156, %broadcast_in_dim3A_399 : vector<16xi32>
          tpu.vector_store_idx %arg8[%add3A_440], %gather3A_439 : memref<32768xf32, #tpu.memory_space<vmem>>[vector<16xi32>], vector<16xf32>,
          %add3A_441 = arith.addi %and3A_94, %broadcast_in_dim3A_394 : vector<16xi32>
          %gather3A_442 = tpu.vector_load_idx %arg6[%broadcast_in_dim3A_338, %add3A_393, %add3A_441] : memref<2x128x64xf32, #tpu.memory_space<vmem>>[vector<16xi32>, vector<16xi32>, vector<16xi32>], vector<16xf32>,
          %add3A_443 = arith.addi %add3A_160, %broadcast_in_dim3A_399 : vector<16xi32>
          tpu.vector_store_idx %arg8[%add3A_443], %gather3A_442 : memref<32768xf32, #tpu.memory_space<vmem>>[vector<16xi32>], vector<16xf32>,
          %add3A_444 = arith.addi %and3A_100, %broadcast_in_dim3A_394 : vector<16xi32>
          %gather3A_445 = tpu.vector_load_idx %arg6[%broadcast_in_dim3A_338, %add3A_393, %add3A_444] : memref<2x128x64xf32, #tpu.memory_space<vmem>>[vector<16xi32>, vector<16xi32>, vector<16xi32>], vector<16xf32>,
          %add3A_446 = arith.addi %add3A_164, %broadcast_in_dim3A_399 : vector<16xi32>
          tpu.vector_store_idx %arg8[%add3A_446], %gather3A_445 : memref<32768xf32, #tpu.memory_space<vmem>>[vector<16xi32>], vector<16xf32>,
        }
        %scan3A_346 = arith.constant 32 : i32
      }
      %scan3A_320 = arith.constant 4 : i32
      %dma_start3A_321 = arith.constant 0 : i32
      %dma_start3A_322 = arith.constant 0 : i32
      %dma_start3A_323 = tpu.memref_slice %arg8[%dma_start3A_322] : memref<32768xf32, #tpu.memory_space<vmem>> -> memref<1024xf32, #tpu.memory_space<vmem>>
      %dma_start3A_324 = arith.constant 0 : i32
      %dma_start3A_325 = tpu.memref_slice %arg4[%select_n3A_295, %dma_start3A_321, %select_n3A_311, %dma_start3A_324] : memref<50x8x128x1024xf32, #tpu.memory_space<hbm>> -> memref<1x1x1x1024xf32, #tpu.memory_space<hbm>>
      %dma_start3A_326 = tpu.memref_squeeze %dma_start3A_325 : memref<1x1x1x1024xf32, #tpu.memory_space<hbm>> -> memref<1024xf32, #tpu.memory_space<hbm>>
      %dma_start3A_327 = arith.constant 0 : i32
      %dma_start3A_328 = tpu.memref_slice %arg4[%select_n3A_295, %dma_start3A_321, %select_n3A_311, %dma_start3A_327] : memref<50x8x128x1024xf32, #tpu.memory_space<hbm>> -> memref<1x1x1x1024xf32, #tpu.memory_space<hbm>>
      %dma_start3A_329 = tpu.memref_squeeze %dma_start3A_328 : memref<1x1x1x1024xf32, #tpu.memory_space<hbm>> -> memref<1024xf32, #tpu.memory_space<hbm>>
      %dma_start3A_330 = arith.constant 0 : i32
      %dma_start3A_331 = tpu.memref_slice %arg8[%dma_start3A_330] : memref<32768xf32, #tpu.memory_space<vmem>> -> memref<1024xf32, #tpu.memory_space<vmem>>
      tpu.enqueue_dma source(%dma_start3A_331 : memref<1024xf32, #tpu.memory_space<vmem>>) target(%dma_start3A_329 : memref<1024xf32, #tpu.memory_space<hbm>>) target_semaphore(%arg11 : memref<!tpu.dma_semaphore, #tpu.memory_space<semaphore_mem>>)
    }
    %scan3A_184 = arith.constant 25 : i32
    %dma_wait3A = arith.constant 0 : i32
    %dma_wait3A_185 = arith.constant 0 : i32
    %dma_wait3A_186 = arith.constant 0 : i32
    %dma_wait3A_187 = arith.constant 0 : i32
    %dma_wait3A_188 = tpu.memref_slice %arg7[%dma_wait3A_187] : memref<32768xf32, #tpu.memory_space<vmem>> -> memref<1024xf32, #tpu.memory_space<vmem>>
    %dma_wait3A_189 = arith.constant 0 : i32
    %dma_wait3A_190 = tpu.memref_slice %arg4[%dma_wait3A, %dma_wait3A_185, %dma_wait3A_186, %dma_wait3A_189] : memref<50x8x128x1024xf32, #tpu.memory_space<hbm>> -> memref<1x1x1x1024xf32, #tpu.memory_space<hbm>>
    %dma_wait3A_191 = tpu.memref_squeeze %dma_wait3A_190 : memref<1x1x1x1024xf32, #tpu.memory_space<hbm>> -> memref<1024xf32, #tpu.memory_space<hbm>>
    %dma_wait3A_192 = arith.constant 0 : i32
    %dma_wait3A_193 = tpu.memref_slice %arg7[%dma_wait3A_192] : memref<32768xf32, #tpu.memory_space<vmem>> -> memref<1024xf32, #tpu.memory_space<vmem>>
    %dma_wait3A_194 = arith.constant 0 : i32
    %dma_wait3A_195 = tpu.memref_slice %arg4[%dma_wait3A, %dma_wait3A_185, %dma_wait3A_186, %dma_wait3A_194] : memref<50x8x128x1024xf32, #tpu.memory_space<hbm>> -> memref<1x1x1x1024xf32, #tpu.memory_space<hbm>>
    %dma_wait3A_196 = tpu.memref_squeeze %dma_wait3A_195 : memref<1x1x1x1024xf32, #tpu.memory_space<hbm>> -> memref<1024xf32, #tpu.memory_space<hbm>>
    tpu.wait_dma2 semaphore(%arg10 : memref<!tpu.dma_semaphore, #tpu.memory_space<semaphore_mem>>) src(%dma_wait3A_196 : memref<1024xf32, #tpu.memory_space<hbm>>) dst(%dma_wait3A_193 : memref<1024xf32, #tpu.memory_space<vmem>>)
    %dma_wait3A_197 = arith.constant 0 : i32
    %dma_wait3A_198 = arith.constant 0 : i32
    %dma_wait3A_199 = arith.constant 0 : i32
    %dma_wait3A_200 = arith.constant 0 : i32
    %dma_wait3A_201 = tpu.memref_slice %arg7[%dma_wait3A_200] : memref<32768xf32, #tpu.memory_space<vmem>> -> memref<1024xf32, #tpu.memory_space<vmem>>
    %dma_wait3A_202 = arith.constant 0 : i32
    %dma_wait3A_203 = tpu.memref_slice %arg4[%dma_wait3A_197, %dma_wait3A_198, %dma_wait3A_199, %dma_wait3A_202] : memref<50x8x128x1024xf32, #tpu.memory_space<hbm>> -> memref<1x1x1x1024xf32, #tpu.memory_space<hbm>>
    %dma_wait3A_204 = tpu.memref_squeeze %dma_wait3A_203 : memref<1x1x1x1024xf32, #tpu.memory_space<hbm>> -> memref<1024xf32, #tpu.memory_space<hbm>>
    %dma_wait3A_205 = arith.constant 0 : i32
    %dma_wait3A_206 = tpu.memref_slice %arg7[%dma_wait3A_205] : memref<32768xf32, #tpu.memory_space<vmem>> -> memref<1024xf32, #tpu.memory_space<vmem>>
    %dma_wait3A_207 = arith.constant 0 : i32
    %dma_wait3A_208 = tpu.memref_slice %arg4[%dma_wait3A_197, %dma_wait3A_198, %dma_wait3A_199, %dma_wait3A_207] : memref<50x8x128x1024xf32, #tpu.memory_space<hbm>> -> memref<1x1x1x1024xf32, #tpu.memory_space<hbm>>
    %dma_wait3A_209 = tpu.memref_squeeze %dma_wait3A_208 : memref<1x1x1x1024xf32, #tpu.memory_space<hbm>> -> memref<1024xf32, #tpu.memory_space<hbm>>
    tpu.wait_dma2 semaphore(%arg11 : memref<!tpu.dma_semaphore, #tpu.memory_space<semaphore_mem>>) src(%dma_wait3A_209 : memref<1024xf32, #tpu.memory_space<hbm>>) dst(%dma_wait3A_206 : memref<1024xf32, #tpu.memory_space<vmem>>)
    return
  }
}

</mosaic_0001>

<sc_bundles>
// kernel: kernel.3.cloned.1.call-start
scs
__scs_entry_jumppad:
0x0: {  	(pc) =	sbr.rel $0x88, $3  }
0x1: {  	(tag) =	ssettag $0x0;
	lr =	simm.s32 $0x1  }
0x2: {  	[smem:$0x3F9F] =	sst lr;
	_ =	strace $0xD0000000  }
0x3: {  	_ = 	snop  }
0x4: {  	_ = 	snop  }
0x5: {  	_ = 	snop  }
0x6: {  	_ = 	snop  }
0x7: {  	_ = 	snop  }
__scs_overlays_trampoline_lowered:
0x8: {  	[smem:$0x3FAE] =	sst s0  }
0x9: {  	[smem:$0x3FAF] =	sst s1  }
0xa: {  	[smem:$0x3FB0] =	sst s2  }
0xb: {  	[smem:$0x3FB1] =	sst s3  }
0xc: {  	[smem:$0x3FB2] =	sst s4  }
0xd: {  	[smem:$0x3FB3] =	sst s5  }
0xe: {  	[smem:$0x3FB4] =	sst s6  }
0xf: {  	[smem:$0x3FB5] =	sst s7  }
0x10: {  	[smem:$0x3FB6] =	sst s8  }
0x11: {  	[smem:$0x3FB7] =	sst s9;
	s0 =	simm.s32 @!p0 $0x0  }
0x12: {  	s1 =	sld [smem:$0x3F9D];
	s0 =	simm.s32 @p0 $0x1  }
0x13: {  	[smem:$0x3FB8] =	sst s0;
	s0 =	simm.s32 @!p1 $0x0  }
0x14: {  	s2 =	sld [smem:$0x3F9C];
	s0 =	simm.s32 @p1 $0x1  }
0x15: {  	[smem:$0x3FB9] =	sst s0;
	s0 =	simm.s32 @!p2 $0x0  }
0x16: {  	s3 =	sld [smem:$0x3FDB];
	s0 =	simm.s32 @p2 $0x1  }
0x17: {  	s4 =	simm.s32 $0x1BF5;
	[smem:$0x3FBB] =	sst s0  }
0x18: {  	s0 =	sld [smem:$0x3F9E];
	_ =	swait.ge [sflag:s4], $0x0  }
0x19: {  	s7 =	sld [smem:$0x3F9F]  }
0x1a: {  	s8 =	sadd.s32 $0xFFFFE003, lr  }
0x1b: {  	s9 =	sadd.s32 $0xFFFFFEF7, lr;
	s5 =	simm.s32 $0xFFFFFFFF;
	p2 =	slt.u32 s8, $0xFFFFF086  }
0x1c: {  	p1 =	slt.u32 s9, $0xF7A;
	s5 =	simm.s32 @!p2 $0x0  }
0x1d: {  	s5 =	simm.s32 @p1 $0x1;
	p0 =	seq.s32 s7, s2  }
0x1e: {  	s7 =	smul.u32 @!p0 $0xF7A, s2;
	p2 =	seq.s32 @!p0 s5, $0x0  }
0x1f: {  	s9 =	smul.u32 $0xF7A, s1;
	s8 =	simm.s32 @!p0 $0x1BF5;
	p2 =	por !p2, p0  }
0x20: {  	[sflag:s8] =	ssyncset.s32 @!p0 $0xFFFFF086;
	s6 =	sadd.s32 @!p0 s3, s7;
	s7 =	simm.s32 @!p0 $0x108  }
0x21: {  	s3 =	sadd.s32 s3, s9;
	s6 =	sadd.s32 @!p0 $0x88, s6;
	s7 =	simm.s32 @p2 $0x1082  }
0x22: {  	[simem:s7], [sflag:s8] =	dma.local @!p0 [hbm:s6], $0xF7A  }
0x23: {  	s9 =	sor.u32 $0xD0000000, s2;
	s6 =	simm.s32 $0x108;
	_ =	swait.ge @!p0 [sflag:s8], $0x0  }
0x24: {  	s3 =	sadd.s32 $0x88, s3;
	s6 =	simm.s32 @!p1 $0x1082;
	[sflag:s4] =	ssyncset.s32 $0xFFFFF086  }
0x25: {  	[simem:s6], [sflag:s4] =	dma.local [hbm:s3], $0xF7A  }
0x26: {  	[smem:$0x3F9F] =	sst s1;
	(tag) =	ssettag s2;
	_ =	strace s9  }
0x27: {  	s1 =	sld [smem:$0x3FAF]  }
0x28: {  	s2 =	sld [smem:$0x3FB0]  }
0x29: {  	s4 =	sld [smem:$0x3FB2]  }
0x2a: {  	p0 =	seq.s32 s5, $0x0;
	s5 =	sld [smem:$0x3FB3]  }
0x2b: {  	s6 =	sld [smem:$0x3FB4]  }
0x2c: {  	s7 =	sld [smem:$0x3FB5]  }
0x2d: {  	s3 =	simm.s32 $0x108;
	s8 =	sld [smem:$0x3FB6]  }
0x2e: {  	s3 =	simm.s32 @!p0 $0x1082;
	s9 =	sld [smem:$0x3FB7]  }
0x2f: {  	lr =	sadd.s32 s0, s3;
	s0 =	sld [smem:$0x3FAE]  }
0x30: {  	s3 =	sld [smem:$0x3FB1]  }
0x31: {  	[smem:$0x3FBA] =	sst s10  }
0x32: {  	s10 =	sld [smem:$0x3FB8];
	_ =	sdelay $0x3  }
0x33: {  	p0 =	seq.s32 s10, $0x1;
	s10 =	sld [smem:$0x3FBA];
	_ =	sdelay $0x3  }
0x34: {  	[smem:$0x3FBA] =	sst s10  }
0x35: {  	s10 =	sld [smem:$0x3FB9];
	_ =	sdelay $0x3  }
0x36: {  	p1 =	seq.s32 s10, $0x1;
	s10 =	sld [smem:$0x3FBA];
	_ =	sdelay $0x3  }
0x37: {  	[smem:$0x3FBA] =	sst s10  }
0x38: {  	s10 =	sld [smem:$0x3FBB]  }
0x39: {  	_ = 	snop;
	(pc) =	sbr.ind lr, $3  }
0x3a: {  	_ = 	snop  }
0x3b: {  	_ = 	snop  }
0x3c: {  	p2 =	seq.s32 s10, $0x1;
	s10 =	sld [smem:$0x3FBA]  }
0x3d: {  	_ =	shalt  }
0x3e: {  	_ =	shalt  }
0x3f: {  	_ =	shalt  }
0x40: {  	_ =	shalt  }
0x41: {  	_ =	shalt  }
0x42: {  	_ =	shalt  }
0x43: {  	_ =	shalt  }
0x44: {  	_ =	shalt  }
0x45: {  	_ =	shalt  }
0x46: {  	_ =	shalt  }
0x47: {  	_ =	shalt  }
0x48: {  	_ =	shalt  }
0x49: {  	_ =	shalt  }
0x4a: {  	_ =	shalt  }
0x4b: {  	_ =	shalt  }
0x4c: {  	_ =	shalt  }
0x4d: {  	_ =	shalt  }
0x4e: {  	_ =	shalt  }
0x4f: {  	_ =	shalt  }
0x50: {  	_ =	shalt  }
0x51: {  	_ =	shalt  }
0x52: {  	_ =	shalt  }
0x53: {  	_ =	shalt  }
0x54: {  	_ =	shalt  }
0x55: {  	_ =	shalt  }
0x56: {  	_ =	shalt  }
0x57: {  	_ =	shalt  }
0x58: {  	_ =	shalt  }
0x59: {  	_ =	shalt  }
0x5a: {  	_ =	shalt  }
0x5b: {  	_ =	shalt  }
0x5c: {  	_ =	shalt  }
0x5d: {  	_ =	shalt  }
0x5e: {  	_ =	shalt  }
0x5f: {  	_ =	shalt  }
0x60: {  	_ =	shalt  }
0x61: {  	_ =	shalt  }
0x62: {  	_ =	shalt  }
0x63: {  	_ =	shalt  }
0x64: {  	_ =	shalt  }
0x65: {  	_ =	shalt  }
0x66: {  	_ =	shalt  }
0x67: {  	_ =	shalt  }
0x68: {  	_ =	shalt  }
0x69: {  	_ =	shalt  }
0x6a: {  	_ =	shalt  }
0x6b: {  	_ =	shalt  }
0x6c: {  	_ =	shalt  }
0x6d: {  	_ =	shalt  }
0x6e: {  	_ =	shalt  }
0x6f: {  	_ =	shalt  }
0x70: {  	_ =	shalt  }
0x71: {  	_ =	shalt  }
0x72: {  	_ =	shalt  }
0x73: {  	_ =	shalt  }
0x74: {  	_ =	shalt  }
0x75: {  	_ =	shalt  }
0x76: {  	_ =	shalt  }
0x77: {  	_ =	shalt  }
0x78: {  	_ =	shalt  }
0x79: {  	_ =	shalt  }
0x7a: {  	_ =	shalt  }
0x7b: {  	_ =	shalt  }
0x7c: {  	_ =	shalt  }
0x7d: {  	_ =	shalt  }
0x7e: {  	_ =	shalt  }
0x7f: {  	_ =	shalt  }
0x80: {  	_ =	shalt  }
0x81: {  	_ =	shalt  }
0x82: {  	_ =	shalt  }
0x83: {  	_ =	shalt  }
0x84: {  	_ =	shalt  }
0x85: {  	_ =	shalt  }
0x86: {  	_ =	shalt  }
0x87: {  	_ =	shalt  }
.Lfunc_end0:
.L_simem_size_0:
called_computation_lowered:
.L_overlay_start_0:
0x88: {  	s2 =	sld [smem:$0x3FD9]  }
0x89: {  	s3 =	sld [smem:$0x3FFE];
	_ =	sdelay $0x1  }
0x8a: {  	s1 =	srdreg.scid  }
0x8b: {  	s0 =	sand.u32 $0x1, s1  }
0x8c: {  	s17 =	sshll.u32 s0, $0xA;
	s2 =	sadd.s32 s3, s2  }
0x8d: {  	s2 =	sadd.s32 s2, s17  }
0x8e: {  	[smem:$0x3FC6] =	sst s2  }
0x8f: {  	_ = 	snop  }
0x90: {  	s2 =	sld [smem:$0x3FD0];
	(tm) =	ssettm $0x1  }
0x91: {  	s18 =	sld [smem:$0x3FFB];
	_ =	sdelay $0x3  }
0x92: {  	_ =	strace s18  }
0x93: {  	s3 =	sld [smem:$0x3FFC];
	_ =	sdelay $0x3  }
0x94: {  	_ =	strace s3  }
0x95: {  	s3 =	sld [smem:$0x3FFD];
	_ =	sdelay $0x3  }
0x96: {  	_ =	strace s3  }
0x97: {  	_ =	strace $0x8FFFFFFF  }
0x98: {  	s19 =	sld [smem:$0x3FDB];
	_ =	sdelay $0x1  }
0x99: {  	s4 =	simm.s32 $_scs_section_size  }
0x9a: {  	s5 =	simm.s32 $_size__tile_overlayer_lowered;
	s6 =	simm.s32 $_tile_overlayer_lowered  }
0x9b: {  	s22 =	simm.s32 $0x1BFF;
	s21 =	sshll.u32 s6, $0x1;
	s3 =	sadd.s32 s4, s19  }
0x9c: {  	s7 =	simm.s32 $0x0;
	s20 =	sshll.u32 s5, $0x1;
	s5 =	sadd.s32 s21, s3  }
0x9d: {  	[timem:s7], [sflag:s22] =	dma.local [hbm:s5], s20  }
0x9e: {  	_ =	swait.ge [sflag:s22], s20  }
0x9f: {  	s4 =	ssub.s32 $0x0, s20;
	[sflag:s22] =	ssyncset.done $0x0  }
0xa0: {  	[sflag:s22] =	ssyncadd.s32 s4;
	_ =	sdelay $0x1  }
0xa1: {  	s23 =	simm.s32 $0x1B8B  }
0xa2: {  	_ =	swait.ge [sflag:s23], $0x1  }
0xa3: {  	[sflag:s23] =	ssyncset.done $0x0  }
0xa4: {  	s25 =	simm.s32 $0x1B8E;
	s24 =	sld [smem:$0x3FFE];
	[sflag:s23] =	ssyncadd.s32 $0xFFFFFFFF  }
0xa5: {  	s26 =	simm.s32 $execute0_lowered;
	[smem:$0x3FD2] =	sst s25  }
0xa6: {  	s5 =	sshll.u32 s26, $0x1;
	_ =	strace $0x80000046;
	[dreg:$0x1] =	wrdreg $0xFFFFFFFF  }
0xa7: {  	s28 =	simm.s32 $_size_execute0_lowered;
	s3 =	sadd.s32 s3, s5;
	[dreg:$0x0] =	wrdreg $0x0  }
0xa8: {  	s5 =	sshll.u32 s28, $0x1;
	[dreg:$0x2] =	wrdreg s3  }
0xa9: {  	[dreg:$0x3] =	wrdreg s5  }
0xaa: {  	[dreg:$0x4] =	wrdreg $0xC0  }
0xab: {  	_ =	task [dreg:s7], $0x5FFFF  }
0xac: {  	[dreg:$0x1] =	wrdreg $0xFFFFFFFF  }
0xad: {  	[dreg:$0x0] =	wrdreg $0x60  }
0xae: {  	[dreg:$0x2] =	wrdreg s24  }
0xaf: {  	[dreg:$0x3] =	wrdreg s2  }
0xb0: {  	[dreg:$0x4] =	wrdreg $0x9  }
0xb1: {  	_ =	task.clear_ibuf [dreg:s7], $0x5FFFF;
	_ =	strace $0x90000046  }
0xb2: {  	s29 =	simm.s32 $0x9;
	_ =	strace $0x80000048  }
0xb3: {  	_ =	swait.ge [sflag:s29], $0x1  }
0xb4: {  	[sflag:s29] =	ssyncadd.s32 $0xFFFFFFFF  }
0xb5: {  	_ =	strace $0x90000048  }
0xb6: {  	_ =	sfence  }
0xb7: {  	s30 =	sld [smem:$0x0];
	_ =	sdelay $0x2  }
0xb8: {  	s31 =	sshll.u32 s1, $0xD;
	s1 =	sshrl.u32 s1, $0x2  }
0xb9: {  	s3 =	sand.u32 $0x4000, s31;
	s1 =	sadd.s32 s1, s30  }
0xba: {  	s0 =	sor.u32 s3, s0;
	s1 =	sshll.u32 s1, $0x11  }
0xbb: {  	s0 =	sor.u32 s1, s0  }
0xbc: {  	s0 =	sadd.s32 $0x8F2B, s0  }
0xbd: {  	[sflag:s0] =	ssyncadd.remote.s32 $0x1  }
0xbe: {  	_ =	sfence.sel $0xFFFF  }
0xbf: {  	[dreg:$0x0] =	wrdreg $0xFFFFFFFF;
	(pc) =	sbr.abs _section_cstart, $3  }
0xc0: {  	[dreg:$0x1] =	wrdreg $0xFFFFFFFF  }
0xc1: {  	_ =	task.clear_ibuf [dreg:s7], $0x2FFFF;
	_ =	strace $0x9FFFFFFF  }
0xc2: {  	(tm) =	ssettm $0x7FFFFFFF  }
0xc3: {  	_ =	shalt  }
tec
execute0_lowered:
.L_overlay_start_1:
0x0: {  	(tag) =	ssettag $0x1  }
0x1: {  	v2 =	vimm.s32 $0xFEDCBA9  }
0x2: {  	v0 =	vimm.s32 $0x0;
	v1 =	vlaneseq.u32;
	v3 =	vimm.s32 $0x87654321  }
0x3: {  	vm9 =	vcmask $0x300;
	v4 =	vimm.s32 $0xF;
	vm11 =	vcmask $0x704  }
0x4: {  	vm12 =	vcmask $0xB08;
	vm13 =	vcmask $0xF0C;
	vm14 =	vcmask $0x1310  }
0x5: {  	vm10 =	vcmask $0x1714;
	vm8 =	vcmask $0x1B18;
	vm7 =	vcmask $0x1F1C  }
0x6: {  	vm5 =	vcmask $0x2320;
	v6 =	vimm.s32 $0x8F;
	vm4 =	vcmask $0x2724  }
0x7: {  	vm3 =	vcmask $0x2B28;
	vm2 =	vcmask $0x2F2C;
	vm1 =	vcmask $0x3330  }
0x8: {  	vm0 =	vcmask $0x3734;
	v7 =	vimm.s32 $0x10FEDCBA;
	v8 =	vimm.s32 $0x98765432  }
0x9: {  	v9 =	vimm.s32 $0x10F;
	vm6 =	vcmask $0x3B38;
	v10 =	vimm.s32 $0x18F  }
0xa: {  	v11 =	vimm.s32 $0xA9876543;
	v14 =	vimm.s32 $0x28F;
	v15 =	vimm.s32 $0xCBA98765  }
0xb: {  	v16 =	vimm.s32 $0xDCBA9876;
	v28 =	vimm.s32 $0x76543210;
	v56 =	vimm.s32 $0x38F  }
0xc: {  	v35 =	vimm.s32 $0x48F;
	v60 =	vimm.s32 $0x60F;
	v62 =	vimm.s32 $0x70F  }
0xd: {  	v2 =	vunpack.c.l.s4.s8 v2;
	v3 =	vunpack.c.l.s4.s8 v3;
	v4 =	vsel vm9, $0x80, v4  }
0xe: {  	v6 =	vsel vm9, $0x100, v6;
	v7 =	vunpack.c.l.s4.s8 v7;
	v8 =	vunpack.c.l.s4.s8 v8  }
0xf: {  	v10 =	vsel vm9, $0x200, v10;
	v11 =	vunpack.c.l.s4.s8 v11;
	v14 =	vsel vm9, $0x300, v14  }
0x10: {  	v15 =	vunpack.c.l.s4.s8 v15;
	v16 =	vunpack.c.l.s4.s8 v16;
	v28 =	vunpack.c.l.s4.s8 v28  }
0x11: {  	v6 =	vsel vm11, $0x181, v6;
	v10 =	vsel vm11, $0x281, v10;
	v14 =	vsel vm11, $0x381, v14  }
0x12: {  	v18 =	vunpack.c.0.s8.s32 v2;
	v2 =	vsel vm11, $0x101, v4;
	v19 =	vunpack.c.0.s8.s32 v3  }
0x13: {  	v6 =	vsel vm12, $0x202, v6;
	v20 =	vunpack.c.0.s8.s32 v7;
	v7 =	vsel vm9, $0x180, v9  }
0x14: {  	v21 =	vunpack.c.0.s8.s32 v8;
	v23 =	vunpack.c.0.s8.s32 v11;
	v11 =	vimm.s32 $0xBA987654  }
0x15: {  	v27 =	vunpack.c.0.s8.s32 v15;
	v30 =	vunpack.c.0.s8.s32 v16;
	v16 =	vimm.s32 $0xEDCBA987  }
0x16: {  	v3 =	vsel vm12, $0x182, v2;
	v2 =	vmul.u32 $0x40, v1;
	v6 =	vsel vm13, $0x283, v6  }
0x17: {  	v7 =	vsel vm11, $0x201, v7;
	v11 =	vunpack.c.l.s4.s8 v11;
	v16 =	vunpack.c.l.s4.s8 v16  }
0x18: {  	v3 =	vsel vm13, $0x203, v3;
	v4 =	vcombine.low v19, v18;
	v6 =	vsel vm14, $0x304, v6  }
0x19: {  	v7 =	vsel vm12, $0x282, v7;
	v8 =	vcombine.low v21, v20;
	v57 =	vcombine.low v18, v19  }
0x1a: {  	v18 =	vimm.s32 $0x40F;
	v5 =	vsel vm14, $0x284, v3;
	v3 =	vmul.u32 $0x81, v1  }
0x1b: {  	v6 =	vsel vm10, $0x385, v6;
	v7 =	vsel vm13, $0x303, v7;
	v25 =	vunpack.c.0.s8.s32 v11  }
0x1c: {  	v34 =	vunpack.c.0.s8.s32 v16;
	v18 =	vsel vm9, $0x480, v18;
	v5 =	vsel vm10, $0x305, v5  }
0x1d: {  	v4 =	vand.u32 $0xF, v4;
	v6 =	vsel vm8, $0x406, v6;
	v7 =	vsel vm14, $0x384, v7  }
0x1e: {  	v18 =	vsel vm11, $0x501, v18;
	v5 =	vsel vm8, $0x386, v5;
	v6 =	vsel vm7, $0x487, v6  }
0x1f: {  	v18 =	vsel vm12, $0x582, v18;
	v5 =	vsel vm7, $0x407, v5;
	v6 =	vsel vm5, $0x508, v6  }
0x20: {  	v18 =	vsel vm13, $0x603, v18;
	v5 =	vsel vm5, $0x488, v5;
	v6 =	vsel vm4, $0x589, v6  }
0x21: {  	v18 =	vsel vm14, $0x684, v18;
	v5 =	vsel vm4, $0x509, v5;
	v6 =	vsel vm3, $0x60A, v6  }
0x22: {  	v18 =	vsel vm10, $0x705, v18;
	v5 =	vsel vm3, $0x58A, v5;
	v6 =	vsel vm2, $0x68B, v6  }
0x23: {  	v18 =	vsel vm8, $0x786, v18;
	v5 =	vsel vm2, $0x60B, v5;
	v9 =	vsel vm1, $0x70C, v6  }
0x24: {  	v6 =	vand.u32 $0xF, v8;
	v18 =	vsel vm7, $0x7, v18;
	v5 =	vsel vm1, $0x68C, v5  }
0x25: {  	v8 =	vsel vm0, $0x78D, v9;
	v9 =	vsel vm10, $0x405, v7;
	v18 =	vsel vm5, $0x88, v18  }
0x26: {  	v7 =	vsel vm6, $0xE, v8;
	v8 =	vimm.s32 $0x210FEDCB;
	v9 =	vsel vm8, $0x486, v9  }
0x27: {  	v5 =	vsel vm0, $0x70D, v5;
	v8 =	vunpack.c.l.s4.s8 v8;
	v9 =	vsel vm7, $0x507, v9  }
0x28: {  	v18 =	vsel vm4, $0x109, v18;
	v5 =	vsel vm6, $0x78E, v5;
	v9 =	vsel vm5, $0x588, v9  }
0x29: {  	v18 =	vsel vm3, $0x18A, v18;
	v9 =	vsel vm4, $0x609, v9;
	v22 =	vunpack.c.0.s8.s32 v8  }
0x2a: {  	v8 =	vsel vm3, $0x68A, v9;
	v9 =	vsel vm12, $0x302, v10;
	v10 =	vimm.s32 $0x3210FEDC  }
0x2b: {  	v8 =	vsel vm2, $0x70B, v8;
	v9 =	vsel vm13, $0x383, v9;
	v10 =	vunpack.c.l.s4.s8 v10  }
0x2c: {  	v12 =	vcombine.low v23, v22;
	v58 =	vcombine.low v22, v23;
	v23 =	vimm.s32 $0x50F  }
0x2d: {  	v9 =	vsel vm14, $0x404, v9;
	v13 =	vsel vm1, $0x78C, v8;
	v23 =	vsel vm9, $0x580, v23  }
0x2e: {  	v9 =	vsel vm10, $0x485, v9;
	v24 =	vunpack.c.0.s8.s32 v10;
	v10 =	vsel vm0, $0xD, v13  }
0x2f: {  	v13 =	vimm.s32 $0x20F;
	v23 =	vsel vm11, $0x601, v23;
	v8 =	vsel vm8, $0x506, v9  }
0x30: {  	v13 =	vsel vm9, $0x280, v13;
	v23 =	vsel vm12, $0x682, v23;
	v9 =	vsel vm7, $0x587, v8  }
0x31: {  	v11 =	vcombine.low v25, v24;
	v23 =	vsel vm13, $0x703, v23;
	v9 =	vsel vm5, $0x608, v9  }
0x32: {  	v8 =	vand.u32 $0xF, v12;
	v23 =	vsel vm14, $0x784, v23;
	v12 =	vsel vm4, $0x689, v9  }
0x33: {  	v9 =	vsel vm6, $0x8E, v10;
	v10 =	vand.u32 $0xF, v11;
	v12 =	vsel vm3, $0x70A, v12  }
0x34: {  	v23 =	vsel vm10, $0x5, v23;
	v11 =	vsel vm2, $0x78B, v12;
	v12 =	vsel vm11, $0x301, v13  }
0x35: {  	v23 =	vsel vm8, $0x86, v23;
	v13 =	vimm.s32 $0x43210FED;
	v12 =	vsel vm12, $0x382, v12  }
0x36: {  	v23 =	vsel vm7, $0x107, v23;
	v11 =	vsel vm1, $0xC, v11;
	v12 =	vsel vm13, $0x403, v12  }
0x37: {  	v13 =	vunpack.c.l.s4.s8 v13;
	v23 =	vsel vm5, $0x188, v23;
	v12 =	vsel vm14, $0x484, v12  }
0x38: {  	v11 =	vsel vm0, $0x8D, v11;
	v23 =	vsel vm4, $0x209, v23;
	v12 =	vsel vm10, $0x505, v12  }
0x39: {  	v26 =	vunpack.c.0.s8.s32 v13;
	v13 =	vsel vm12, $0x402, v14;
	v12 =	vsel vm8, $0x586, v12  }
0x3a: {  	v11 =	vsel vm6, $0x10E, v11;
	v13 =	vsel vm13, $0x483, v13;
	v12 =	vsel vm7, $0x607, v12  }
0x3b: {  	v23 =	vsel vm3, $0x28A, v23;
	v13 =	vsel vm14, $0x504, v13;
	v12 =	vsel vm5, $0x688, v12  }
0x3c: {  	v14 =	vcombine.low v27, v26;
	v13 =	vsel vm10, $0x585, v13;
	v12 =	vsel vm4, $0x709, v12  }
0x3d: {  	v23 =	vsel vm2, $0x30B, v23;
	v13 =	vsel vm8, $0x606, v13;
	v15 =	vsel vm3, $0x78A, v12  }
0x3e: {  	v13 =	vsel vm7, $0x687, v13;
	v12 =	vand.u32 $0xF, v14;
	v14 =	vsel vm2, $0xB, v15  }
0x3f: {  	v13 =	vsel vm5, $0x708, v13;
	v15 =	vimm.s32 $0x543210FE;
	v14 =	vsel vm1, $0x8C, v14  }
0x40: {  	v13 =	vsel vm4, $0x789, v13;
	v15 =	vunpack.c.l.s4.s8 v15;
	v14 =	vsel vm0, $0x10D, v14  }
0x41: {  	v59 =	vcombine.low v26, v27;
	v17 =	vsel vm3, $0xA, v13;
	v13 =	vsel vm6, $0x18E, v14  }
0x42: {  	v29 =	vunpack.c.0.s8.s32 v15;
	v14 =	vsel vm2, $0x8B, v17;
	v15 =	vimm.s32 $0x6543210F  }
0x43: {  	v17 =	vimm.s32 $0xFEDCBA98;
	v14 =	vsel vm1, $0x10C, v14;
	v15 =	vunpack.c.l.s4.s8 v15  }
0x44: {  	v17 =	vunpack.c.l.s4.s8 v17;
	v31 =	vcombine.low v30, v29;
	v32 =	vsel vm0, $0x18D, v14  }
0x45: {  	v30 =	vcombine.low v29, v30;
	v29 =	vimm.s32 $0x68F;
	v33 =	vunpack.c.0.s8.s32 v15  }
0x46: {  	v16 =	vunpack.c.0.s8.s32 v17;
	v15 =	vsel vm6, $0x20E, v32;
	v17 =	vunpack.c.0.s8.s32 v28  }
0x47: {  	v29 =	vsel vm9, $0x700, v29;
	v14 =	vand.u32 $0xF, v31;
	v31 =	vimm.s32 $0x30F  }
0x48: {  	v29 =	vsel vm11, $0x781, v29;
	v30 =	vand.u32 $0xF, v30;
	v28 =	vcombine.low v34, v33  }
0x49: {  	v16 =	vand.u32 $0xF, v16;
	v31 =	vsel vm9, $0x380, v31;
	v61 =	vcombine.low v33, v34  }
0x4a: {  	v33 =	vsel vm9, $0x780, v62;
	v29 =	vsel vm12, $0x2, v29;
	v16 =	vcombine.low v16, v17  }
0x4b: {  	v33 =	vsel vm11, $0x1, v33;
	v29 =	vsel vm13, $0x83, v29;
	v17 =	vand.u32 $0xF, v28  }
0x4c: {  	v28 =	vsel vm11, $0x401, v31;
	v31 =	vsel vm9, $0x400, v56;
	v33 =	vsel vm12, $0x82, v33  }
0x4d: {  	v29 =	vsel vm14, $0x104, v29;
	v32 =	vand.u32 $0xF, v61;
	v31 =	vsel vm11, $0x481, v31  }
0x4e: {  	v19 =	vsel vm12, $0x482, v28;
	v33 =	vsel vm13, $0x103, v33;
	v29 =	vsel vm10, $0x185, v29  }
0x4f: {  	v28 =	vsel vm12, $0x502, v31;
	v19 =	vsel vm13, $0x503, v19;
	v31 =	vsel vm2, $0x20B, v18  }
0x50: {  	v33 =	vsel vm14, $0x184, v33;
	v29 =	vsel vm8, $0x206, v29;
	v28 =	vsel vm13, $0x583, v28  }
0x51: {  	v19 =	vsel vm14, $0x584, v19;
	v33 =	vsel vm10, $0x205, v33;
	v29 =	vsel vm7, $0x287, v29  }
0x52: {  	v28 =	vsel vm14, $0x604, v28;
	v19 =	vsel vm10, $0x605, v19;
	v33 =	vsel vm8, $0x286, v33  }
0x53: {  	v29 =	vsel vm5, $0x308, v29;
	v28 =	vsel vm10, $0x685, v28;
	v19 =	vsel vm8, $0x686, v19  }
0x54: {  	v33 =	vsel vm7, $0x307, v33;
	v29 =	vsel vm4, $0x389, v29;
	v28 =	vsel vm8, $0x706, v28  }
0x55: {  	v19 =	vsel vm7, $0x707, v19;
	v33 =	vsel vm5, $0x388, v33;
	v28 =	vsel vm7, $0x787, v28  }
0x56: {  	v29 =	vsel vm3, $0x40A, v29;
	v19 =	vsel vm5, $0x788, v19;
	v28 =	vsel vm5, $0x8, v28  }
0x57: {  	v33 =	vsel vm4, $0x409, v33;
	v19 =	vsel vm4, $0x9, v19;
	v28 =	vsel vm4, $0x89, v28  }
0x58: {  	v63 =	vsel vm2, $0x48B, v29;
	v19 =	vsel vm3, $0x8A, v19;
	v28 =	vsel vm3, $0x10A, v28  }
0x59: {  	v33 =	vsel vm3, $0x48A, v33;
	v19 =	vsel vm2, $0x10B, v19;
	v28 =	vsel vm2, $0x18B, v28  }
0x5a: {  	v33 =	vsel vm2, $0x50B, v33;
	v19 =	vsel vm1, $0x18C, v19;
	v28 =	vsel vm1, $0x20C, v28  }
0x5b: {  	v33 =	vsel vm1, $0x58C, v33;
	v19 =	vsel vm0, $0x20D, v19;
	v28 =	vsel vm0, $0x28D, v28  }
0x5c: {  	v18 =	vsel vm6, $0x28E, v19;
	v19 =	vsel vm6, $0x30E, v28;
	v28 =	vsel vm1, $0x28C, v31  }
0x5d: {  	v33 =	vsel vm0, $0x60D, v33;
	v31 =	vcombine.low v20, v21;
	v28 =	vsel vm0, $0x30D, v28  }
0x5e: {  	v33 =	vsel vm6, $0x68E, v33;
	v21 =	vsel vm6, $0x38E, v28;
	v28 =	vsel vm9, $0x500, v35  }
0x5f: {  	v22 =	vand.u32 $0xF, v31;
	v31 =	vcombine.low v24, v25;
	v24 =	vimm.s32 $0x58F  }
0x60: {  	v20 =	vand.u32 $0xF, v57;
	v28 =	vsel vm11, $0x581, v28;
	v24 =	vsel vm9, $0x600, v24  }
0x61: {  	v28 =	vsel vm12, $0x602, v28;
	v26 =	vand.u32 $0xF, v31;
	v31 =	vsel vm9, $0x680, v60  }
0x62: {  	v24 =	vsel vm11, $0x681, v24;
	v25 =	vsel vm13, $0x683, v28;
	v31 =	vsel vm11, $0x701, v31  }
0x63: {  	v24 =	vsel vm12, $0x702, v24;
	v25 =	vsel vm14, $0x704, v25;
	v31 =	vsel vm12, $0x782, v31  }
0x64: {  	v28 =	vsel vm1, $0x38C, v23;
	v25 =	vsel vm10, $0x785, v25;
	v31 =	vsel vm13, $0x3, v31  }
0x65: {  	v24 =	vsel vm13, $0x783, v24;
	v25 =	vsel vm8, $0x6, v25;
	v31 =	vsel vm14, $0x84, v31  }
0x66: {  	v24 =	vsel vm14, $0x4, v24;
	v25 =	vsel vm7, $0x87, v25;
	v31 =	vsel vm10, $0x105, v31  }
0x67: {  	v24 =	vsel vm10, $0x85, v24;
	v25 =	vsel vm5, $0x108, v25;
	v31 =	vsel vm8, $0x186, v31  }
0x68: {  	v24 =	vsel vm8, $0x106, v24;
	v25 =	vsel vm4, $0x189, v25;
	v31 =	vsel vm7, $0x207, v31  }
0x69: {  	s4 =	rddreg [dreg:$0x0];
	s1 =	srdreg.scid;
	v24 =	vsel vm7, $0x187, v24;
	v25 =	vsel vm3, $0x20A, v25;
	v31 =	vsel vm5, $0x288, v31  }
0x6a: {  	s0 =	stileid.u32;
	s2 =	rddreg [dreg:$0x1];
	s3 =	simm.s32 $0x0;
	v24 =	vsel vm5, $0x208, v24;
	v25 =	vsel vm2, $0x28B, v25;
	v31 =	vsel vm4, $0x309, v31  }
0x6b: {  	s9 =	simm.s32 $0xA480;
	s10 =	simm.s32 $0x12480;
	s11 =	simm.s32 $0x1;
	v24 =	vsel vm4, $0x289, v24;
	v25 =	vsel vm1, $0x30C, v25;
	v31 =	vsel vm3, $0x38A, v31  }
0x6c: {  	s12 =	simm.s32 $0x2;
	s5 =	sand.u32 $0x1, s1;
	s6 =	sshll.u32 s0, $0x1;
	v24 =	vsel vm3, $0x30A, v24;
	v25 =	vsel vm0, $0x38D, v25;
	v31 =	vsel vm2, $0x40B, v31  }
0x6d: {  	s13 =	simm.s32 $0x0;
	s6 =	sor.u32 s5, s6;
	s5 =	ssub.s32 $0x2, s5;
	v23 =	vsel vm6, $0x40E, v25;
	v25 =	vsel vm0, $0x40D, v28;
	v31 =	vsel vm1, $0x48C, v31  }
0x6e: {  	[smem:$0x7FF] =	sst s3;
	s7 =	smul.u32 $0xC80, s6;
	s8 =	sshrl.u32 s5, $0x1;
	v28 =	vsel vm2, $0x38B, v24;
	v24 =	vand.u32 $0xF, v58;
	v31 =	vsel vm0, $0x50D, v31  }
0x6f: {  	s1 =	rddreg [dreg:$0x2];
	_ =	strace $0x80000047;
	s8 =	ssub.s32 s5, s8;
	v28 =	vsel vm1, $0x40C, v28;
	v29 =	vsel vm6, $0x58E, v31;
	v31 =	vsel vm1, $0x50C, v63  }
0x70: {  	s7 =	sadd.s32 s7, s4;
	s4 =	smul.u32 $0xC8, s6;
	s6 =	smax.u32 s8, $0x1;
	v25 =	vsel vm6, $0x48E, v25;
	v28 =	vsel vm0, $0x48D, v28;
	v31 =	vsel vm0, $0x58D, v31  }
0x71: {  	s8 =	simm.s32 $0x6480;
	s5 =	sadd.s32 $0x400, s7;
	s7 =	simm.s32 $0x3;
	v27 =	vsel vm6, $0x50E, v28;
	v28 =	vand.u32 $0xF, v59;
	v31 =	vsel vm6, $0x60E, v31  }
.LBB2_1:
0x72: {  	[tilespmem:$0x6400] =	vst v0  }
0x73: {  	[tilespmem:$0x6410] =	vst v0  }
0x74: {  	[tilespmem:$0x6420] =	vst v0  }
0x75: {  	[tilespmem:$0x6430] =	vst v0  }
0x76: {  	[tilespmem:$0x6440] =	vst v0  }
0x77: {  	[tilespmem:$0x6450] =	vst v0  }
0x78: {  	[tilespmem:$0x6460] =	vst v0  }
0x79: {  	[tilespmem:$0x6470] =	vst v0  }
0x7a: {  	[tilespmem:s3], [sflag:$0x3] =	stream.linear.gather [hbm4b:s5+s3], $0x6400, $0x38;
	[tilespmem:$0x1A480] =	vst v63  }
0x7b: {  	_ =	swait.ge [sflag:s7], $0x6400  }
0x7c: {  	[sflag:s7] =	ssyncset.done $0x0  }
0x7d: {  	s14 =	simm.s32 $0x0;
	[sflag:s7] =	ssyncadd.s32 $0xFFFF9C00  }
.LBB2_2:
0x7e: {  	p0 =	seq.s32 s14, $0x0  }
0x7f: {  	s17 =	simm.s32 @!p0 $0x1  }
0x80: {  	_ =	swait.ge @!p0 [sflag:s17], $0x400  }
0x81: {  	s15 =	sshll.u32 s14, $0x3;
	s18 =	simm.s32 $0x0;
	[sflag:s17] =	ssyncset.done @!p0 $0x0  }
0x82: {  	s16 =	sadd.s32 s4, s15;
	[sflag:s17] =	ssyncadd.s32 @!p0 $0xFFFFFC00;
	s17 =	simm.s32 $0x0  }
.LBB2_3:
0x83: {  	s20 =	sand.u32 $0x70, s17  }
0x84: {  	s19 =	sand.u32 $0x1, s18;
	v34 =	vmov s20  }
0x85: {  	s19 =	sshll.u32 s19, $0xD;
	v35 =	vshll.u32 v34, $0x6  }
0x86: {  	s21 =	sand.u32 $0x3, s17;
	v34 =	vmov s19;
	v35 =	vor.u32 v2, v35  }
0x87: {  	s31 =	sshll.u32 s21, $0x4;
	v35 =	vor.u32 v34, v35  }
0x88: {  	v35 =	vor.u32 s31, v35  }
0x89: {  	v36 =	vor.u32 v1, v35;
	_ =	sdelay $0x1  }
0x8a: {  	s21 =	sshll.u32 s21, $0xB;
	s19 =	sshll.u32 s18, $0xD  }
0x8b: {  	s21 =	sor.u32 s19, s21  }
0x8c: {  	s20 =	sor.u32 s20, s21  }
0x8d: {  	v37 =	vor.u32 s20, v3;
	v36 =	vld.idx.msk [tilespmem:v36+s8+$0x0], $0xffff  }
0x8e: {  	v38 =	vor.u32 v4, v35;
	_ =	sdelay $0x3  }
0x8f: {  	[tilespmem:v37+s9+$0x0] =	vst.idx.msk $0xffff, v36  }
0x90: {  	v62 =	vor.u32 s20, v5;
	v36 =	vld.idx.msk [tilespmem:v38+s8+$0x0], $0xffff  }
0x91: {  	v63 =	vor.u32 v6, v35;
	_ =	sdelay $0x3  }
0x92: {  	[tilespmem:v62+s9+$0x0] =	vst.idx.msk $0xffff, v36  }
0x93: {  	v40 =	vor.u32 s20, v7;
	v36 =	vld.idx.msk [tilespmem:v63+s8+$0x0], $0xffff  }
0x94: {  	v41 =	vor.u32 v8, v35;
	_ =	sdelay $0x3  }
0x95: {  	[tilespmem:v40+s9+$0x0] =	vst.idx.msk $0xffff, v36  }
0x96: {  	v42 =	vor.u32 s20, v9;
	v36 =	vld.idx.msk [tilespmem:v41+s8+$0x0], $0xffff  }
0x97: {  	v43 =	vor.u32 v10, v35;
	_ =	sdelay $0x3  }
0x98: {  	[tilespmem:v42+s9+$0x0] =	vst.idx.msk $0xffff, v36  }
0x99: {  	v44 =	vor.u32 s20, v11;
	v36 =	vld.idx.msk [tilespmem:v43+s8+$0x0], $0xffff  }
0x9a: {  	v45 =	vor.u32 v12, v35;
	_ =	sdelay $0x3  }
0x9b: {  	[tilespmem:v44+s9+$0x0] =	vst.idx.msk $0xffff, v36  }
0x9c: {  	v46 =	vor.u32 s20, v13;
	v36 =	vld.idx.msk [tilespmem:v45+s8+$0x0], $0xffff  }
0x9d: {  	v47 =	vor.u32 v14, v35;
	_ =	sdelay $0x3  }
0x9e: {  	[tilespmem:v46+s9+$0x0] =	vst.idx.msk $0xffff, v36  }
0x9f: {  	v48 =	vor.u32 s20, v15;
	v36 =	vld.idx.msk [tilespmem:v47+s8+$0x0], $0xffff  }
0xa0: {  	v49 =	vor.u32 v17, v35;
	_ =	sdelay $0x3  }
0xa1: {  	[tilespmem:v48+s9+$0x0] =	vst.idx.msk $0xffff, v36  }
0xa2: {  	v50 =	vor.u32 s20, v18;
	v36 =	vld.idx.msk [tilespmem:v49+s8+$0x0], $0xffff  }
0xa3: {  	v51 =	vor.u32 v16, v35;
	_ =	sdelay $0x3  }
0xa4: {  	[tilespmem:v50+s9+$0x0] =	vst.idx.msk $0xffff, v36  }
0xa5: {  	v52 =	vor.u32 s20, v19;
	v36 =	vld.idx.msk [tilespmem:v51+s8+$0x0], $0xffff  }
0xa6: {  	v53 =	vor.u32 v20, v35;
	_ =	sdelay $0x3  }
0xa7: {  	[tilespmem:v52+s9+$0x0] =	vst.idx.msk $0xffff, v36  }
0xa8: {  	v54 =	vor.u32 s20, v21;
	v36 =	vld.idx.msk [tilespmem:v53+s8+$0x0], $0xffff  }
0xa9: {  	v55 =	vor.u32 v22, v35;
	_ =	sdelay $0x3  }
0xaa: {  	[tilespmem:v54+s9+$0x0] =	vst.idx.msk $0xffff, v36  }
0xab: {  	v56 =	vor.u32 s20, v23;
	v36 =	vld.idx.msk [tilespmem:v55+s8+$0x0], $0xffff  }
0xac: {  	v57 =	vor.u32 v24, v35;
	_ =	sdelay $0x3  }
0xad: {  	[tilespmem:v56+s9+$0x0] =	vst.idx.msk $0xffff, v36  }
0xae: {  	v58 =	vor.u32 s20, v25;
	v36 =	vld.idx.msk [tilespmem:v57+s8+$0x0], $0xffff  }
0xaf: {  	v59 =	vor.u32 v26, v35;
	_ =	sdelay $0x3  }
0xb0: {  	[tilespmem:v58+s9+$0x0] =	vst.idx.msk $0xffff, v36  }
0xb1: {  	v60 =	vor.u32 s20, v27;
	v36 =	vld.idx.msk [tilespmem:v59+s8+$0x0], $0xffff  }
0xb2: {  	v61 =	vor.u32 v28, v35;
	_ =	sdelay $0x3  }
0xb3: {  	[tilespmem:v60+s9+$0x0] =	vst.idx.msk $0xffff, v36  }
0xb4: {  	v62 =	vor.u32 s20, v29;
	v36 =	vld.idx.msk [tilespmem:v61+s8+$0x0], $0xffff  }
0xb5: {  	v63 =	vor.u32 v30, v35;
	_ =	sdelay $0x3  }
0xb6: {  	[tilespmem:v62+s9+$0x0] =	vst.idx.msk $0xffff, v36  }
0xb7: {  	v37 =	vor.u32 s20, v31;
	v36 =	vld.idx.msk [tilespmem:v63+s8+$0x0], $0xffff  }
0xb8: {  	s21 =	simm.s32 $0x4;
	v35 =	vor.u32 v32, v35  }
0xb9: {  	s22 =	simm.s32 $0x1;
	s23 =	simm.s32 $0x2;
	s24 =	sand.u32 $0x70, s21  }
.LBB2_4:
0xba: {  	p1 =	sne.s32 s23, $0x1F;
	v38 =	vmov s24  }
0xbb: {  	v38 =	vshll.u32 v38, $0x6  }
0xbc: {  	s25 =	sand.u32 $0x3, s22;
	s22 =	smov.u32 s23;
	v38 =	vor.u32 v2, v38;
	[tilespmem:v37+s9+$0x0] =	vst.idx.msk $0xffff, v36  }
0xbd: {  	s26 =	sshll.u32 s25, $0x4;
	v36 =	vor.u32 v34, v38;
	v37 =	vld.idx.msk [tilespmem:v35+s8+$0x0], $0xffff  }
0xbe: {  	v35 =	vor.u32 s26, v36;
	v36 =	vor.u32 s20, v33  }
0xbf: {  	v38 =	vor.u32 v1, v35;
	_ =	sdelay $0x2  }
0xc0: {  	s20 =	sshll.u32 s25, $0xB  }
0xc1: {  	s20 =	sor.u32 s19, s20;
	[tilespmem:v36+s9+$0x0] =	vst.idx.msk $0xffff, v37  }
0xc2: {  	s20 =	sor.u32 s24, s20;
	v36 =	vld.idx.msk [tilespmem:v38+s8+$0x0], $0xffff  }
0xc3: {  	v37 =	vor.u32 s20, v3  }
0xc4: {  	v38 =	vor.u32 v4, v35;
	_ =	sdelay $0x3  }
0xc5: {  	[tilespmem:v37+s9+$0x0] =	vst.idx.msk $0xffff, v36  }
0xc6: {  	v36 =	vld.idx.msk [tilespmem:v38+s8+$0x0], $0xffff  }
0xc7: {  	v37 =	vor.u32 s20, v5  }
0xc8: {  	v38 =	vor.u32 v6, v35;
	_ =	sdelay $0x3  }
0xc9: {  	[tilespmem:v37+s9+$0x0] =	vst.idx.msk $0xffff, v36  }
0xca: {  	v36 =	vld.idx.msk [tilespmem:v38+s8+$0x0], $0xffff  }
0xcb: {  	v37 =	vor.u32 s20, v7  }
0xcc: {  	v38 =	vor.u32 v8, v35;
	_ =	sdelay $0x3  }
0xcd: {  	[tilespmem:v37+s9+$0x0] =	vst.idx.msk $0xffff, v36  }
0xce: {  	v36 =	vld.idx.msk [tilespmem:v38+s8+$0x0], $0xffff  }
0xcf: {  	v37 =	vor.u32 s20, v9  }
0xd0: {  	v38 =	vor.u32 v10, v35;
	_ =	sdelay $0x3  }
0xd1: {  	[tilespmem:v37+s9+$0x0] =	vst.idx.msk $0xffff, v36  }
0xd2: {  	v36 =	vld.idx.msk [tilespmem:v38+s8+$0x0], $0xffff  }
0xd3: {  	v37 =	vor.u32 s20, v11  }
0xd4: {  	v38 =	vor.u32 v12, v35;
	_ =	sdelay $0x3  }
0xd5: {  	[tilespmem:v37+s9+$0x0] =	vst.idx.msk $0xffff, v36  }
0xd6: {  	v36 =	vld.idx.msk [tilespmem:v38+s8+$0x0], $0xffff  }
0xd7: {  	v37 =	vor.u32 s20, v13  }
0xd8: {  	v38 =	vor.u32 v14, v35;
	_ =	sdelay $0x3  }
0xd9: {  	[tilespmem:v37+s9+$0x0] =	vst.idx.msk $0xffff, v36  }
0xda: {  	v36 =	vld.idx.msk [tilespmem:v38+s8+$0x0], $0xffff  }
0xdb: {  	v37 =	vor.u32 s20, v15  }
0xdc: {  	v38 =	vor.u32 v17, v35;
	_ =	sdelay $0x3  }
0xdd: {  	[tilespmem:v37+s9+$0x0] =	vst.idx.msk $0xffff, v36  }
0xde: {  	v36 =	vld.idx.msk [tilespmem:v38+s8+$0x0], $0xffff  }
0xdf: {  	v37 =	vor.u32 s20, v18  }
0xe0: {  	v38 =	vor.u32 v16, v35;
	_ =	sdelay $0x3  }
0xe1: {  	[tilespmem:v37+s9+$0x0] =	vst.idx.msk $0xffff, v36  }
0xe2: {  	v36 =	vld.idx.msk [tilespmem:v38+s8+$0x0], $0xffff  }
0xe3: {  	v37 =	vor.u32 s20, v19  }
0xe4: {  	v38 =	vor.u32 v20, v35;
	_ =	sdelay $0x3  }
0xe5: {  	[tilespmem:v37+s9+$0x0] =	vst.idx.msk $0xffff, v36  }
0xe6: {  	v36 =	vld.idx.msk [tilespmem:v38+s8+$0x0], $0xffff  }
0xe7: {  	v37 =	vor.u32 s20, v21  }
0xe8: {  	v38 =	vor.u32 v22, v35;
	_ =	sdelay $0x3  }
0xe9: {  	[tilespmem:v37+s9+$0x0] =	vst.idx.msk $0xffff, v36  }
0xea: {  	v36 =	vld.idx.msk [tilespmem:v38+s8+$0x0], $0xffff  }
0xeb: {  	v37 =	vor.u32 s20, v23  }
0xec: {  	v38 =	vor.u32 v24, v35;
	_ =	sdelay $0x3  }
0xed: {  	[tilespmem:v37+s9+$0x0] =	vst.idx.msk $0xffff, v36  }
0xee: {  	v36 =	vld.idx.msk [tilespmem:v38+s8+$0x0], $0xffff  }
0xef: {  	v37 =	vor.u32 s20, v25  }
0xf0: {  	v38 =	vor.u32 v26, v35;
	_ =	sdelay $0x3  }
0xf1: {  	[tilespmem:v37+s9+$0x0] =	vst.idx.msk $0xffff, v36  }
0xf2: {  	v36 =	vld.idx.msk [tilespmem:v38+s8+$0x0], $0xffff  }
0xf3: {  	v37 =	vor.u32 s20, v27  }
0xf4: {  	v38 =	vor.u32 v28, v35;
	_ =	sdelay $0x3  }
0xf5: {  	[tilespmem:v37+s9+$0x0] =	vst.idx.msk $0xffff, v36  }
0xf6: {  	v36 =	vld.idx.msk [tilespmem:v38+s8+$0x0], $0xffff  }
0xf7: {  	v37 =	vor.u32 s20, v29  }
0xf8: {  	v38 =	vor.u32 v30, v35;
	_ =	sdelay $0x3  }
.Ltmp0:
0xf9: {  	[tilespmem:v37+s9+$0x0] =	vst.idx.msk $0xffff, v36;
	(pc) =	sbr.rel @p1 .LBB2_4-.Ltmp0, $4  }
0xfa: {  	v36 =	vld.idx.msk [tilespmem:v38+s8+$0x0], $0xffff  }
0xfb: {  	v37 =	vor.u32 s20, v31  }
0xfc: {  	s21 =	sadd.s32 $0x4, s21;
	v35 =	vor.u32 v32, v35  }
0xfd: {  	s23 =	sadd.s32 $0x1, s23;
	s24 =	sand.u32 $0x70, s21  }
0xfe: {  	_ = 	snop  }
0xff: {  	v38 =	vmov s24  }
0x100: {  	v38 =	vshll.u32 v38, $0x6  }
0x101: {  	s21 =	sand.u32 $0x3, s22;
	v38 =	vor.u32 v2, v38  }
0x102: {  	[tilespmem:v37+s9+$0x0] =	vst.idx.msk $0xffff, v36;
	s22 =	sshll.u32 s21, $0x4;
	v34 =	vor.u32 v34, v38  }
0x103: {  	v56 =	vor.u32 s20, v33;
	v35 =	vld.idx.msk [tilespmem:v35+s8+$0x0], $0xffff;
	v34 =	vor.u32 s22, v34  }
0x104: {  	v57 =	vor.u32 v1, v34;
	_ =	sdelay $0x1  }
0x105: {  	s31 =	sshll.u32 s21, $0xB  }
0x106: {  	s19 =	sor.u32 s19, s31  }
0x107: {  	s19 =	sor.u32 s24, s19;
	[tilespmem:v56+s9+$0x0] =	vst.idx.msk $0xffff, v35  }
0x108: {  	v58 =	vor.u32 s19, v3;
	v35 =	vld.idx.msk [tilespmem:v57+s8+$0x0], $0xffff  }
0x109: {  	v59 =	vor.u32 v4, v34;
	_ =	sdelay $0x3  }
0x10a: {  	[tilespmem:v58+s9+$0x0] =	vst.idx.msk $0xffff, v35  }
0x10b: {  	v60 =	vor.u32 s19, v5;
	v35 =	vld.idx.msk [tilespmem:v59+s8+$0x0], $0xffff  }
0x10c: {  	v61 =	vor.u32 v6, v34;
	_ =	sdelay $0x3  }
0x10d: {  	[tilespmem:v60+s9+$0x0] =	vst.idx.msk $0xffff, v35  }
0x10e: {  	v62 =	vor.u32 s19, v7;
	v35 =	vld.idx.msk [tilespmem:v61+s8+$0x0], $0xffff  }
0x10f: {  	v63 =	vor.u32 v8, v34;
	_ =	sdelay $0x3  }
0x110: {  	[tilespmem:v62+s9+$0x0] =	vst.idx.msk $0xffff, v35  }
0x111: {  	v40 =	vor.u32 s19, v9;
	v35 =	vld.idx.msk [tilespmem:v63+s8+$0x0], $0xffff  }
0x112: {  	v41 =	vor.u32 v10, v34;
	_ =	sdelay $0x3  }
0x113: {  	[tilespmem:v40+s9+$0x0] =	vst.idx.msk $0xffff, v35  }
0x114: {  	v42 =	vor.u32 s19, v11;
	v35 =	vld.idx.msk [tilespmem:v41+s8+$0x0], $0xffff  }
0x115: {  	v43 =	vor.u32 v12, v34;
	_ =	sdelay $0x3  }
0x116: {  	[tilespmem:v42+s9+$0x0] =	vst.idx.msk $0xffff, v35  }
0x117: {  	v44 =	vor.u32 s19, v13;
	v35 =	vld.idx.msk [tilespmem:v43+s8+$0x0], $0xffff  }
0x118: {  	v45 =	vor.u32 v14, v34;
	_ =	sdelay $0x3  }
0x119: {  	[tilespmem:v44+s9+$0x0] =	vst.idx.msk $0xffff, v35  }
0x11a: {  	v46 =	vor.u32 s19, v15;
	v35 =	vld.idx.msk [tilespmem:v45+s8+$0x0], $0xffff  }
0x11b: {  	v47 =	vor.u32 v17, v34;
	_ =	sdelay $0x3  }
0x11c: {  	[tilespmem:v46+s9+$0x0] =	vst.idx.msk $0xffff, v35  }
0x11d: {  	v48 =	vor.u32 s19, v18;
	v35 =	vld.idx.msk [tilespmem:v47+s8+$0x0], $0xffff  }
0x11e: {  	v49 =	vor.u32 v16, v34;
	_ =	sdelay $0x3  }
0x11f: {  	[tilespmem:v48+s9+$0x0] =	vst.idx.msk $0xffff, v35  }
0x120: {  	v50 =	vor.u32 s19, v19;
	v35 =	vld.idx.msk [tilespmem:v49+s8+$0x0], $0xffff  }
0x121: {  	v51 =	vor.u32 v20, v34;
	_ =	sdelay $0x3  }
0x122: {  	[tilespmem:v50+s9+$0x0] =	vst.idx.msk $0xffff, v35  }
0x123: {  	v52 =	vor.u32 s19, v21;
	v35 =	vld.idx.msk [tilespmem:v51+s8+$0x0], $0xffff  }
0x124: {  	v53 =	vor.u32 v22, v34;
	_ =	sdelay $0x3  }
0x125: {  	[tilespmem:v52+s9+$0x0] =	vst.idx.msk $0xffff, v35  }
0x126: {  	v54 =	vor.u32 s19, v23;
	v35 =	vld.idx.msk [tilespmem:v53+s8+$0x0], $0xffff  }
0x127: {  	v55 =	vor.u32 v24, v34;
	_ =	sdelay $0x3  }
0x128: {  	[tilespmem:v54+s9+$0x0] =	vst.idx.msk $0xffff, v35  }
0x129: {  	v56 =	vor.u32 s19, v25;
	v35 =	vld.idx.msk [tilespmem:v55+s8+$0x0], $0xffff  }
0x12a: {  	v57 =	vor.u32 v26, v34;
	_ =	sdelay $0x3  }
0x12b: {  	[tilespmem:v56+s9+$0x0] =	vst.idx.msk $0xffff, v35  }
0x12c: {  	v58 =	vor.u32 s19, v27;
	v35 =	vld.idx.msk [tilespmem:v57+s8+$0x0], $0xffff  }
0x12d: {  	v59 =	vor.u32 v28, v34;
	_ =	sdelay $0x3  }
0x12e: {  	[tilespmem:v58+s9+$0x0] =	vst.idx.msk $0xffff, v35  }
0x12f: {  	v60 =	vor.u32 s19, v29;
	v35 =	vld.idx.msk [tilespmem:v59+s8+$0x0], $0xffff  }
0x130: {  	v61 =	vor.u32 v30, v34;
	_ =	sdelay $0x3  }
0x131: {  	[tilespmem:v60+s9+$0x0] =	vst.idx.msk $0xffff, v35  }
0x132: {  	v62 =	vor.u32 s19, v31;
	v35 =	vld.idx.msk [tilespmem:v61+s8+$0x0], $0xffff  }
0x133: {  	v34 =	vor.u32 v32, v34;
	_ =	sdelay $0x3  }
0x134: {  	s18 =	sadd.s32 $0x1, s18;
	[tilespmem:v62+s9+$0x0] =	vst.idx.msk $0xffff, v35  }
0x135: {  	p1 =	sne.s32 s18, $0x4;
	v63 =	vor.u32 s19, v33;
	v34 =	vld.idx.msk [tilespmem:v34+s8+$0x0], $0xffff  }
.Ltmp1:
0x136: {  	_ = 	snop;
	(pc) =	sbr.rel @p1 .LBB2_3-.Ltmp1, $2  }
0x137: {  	_ =	sdelay $0x2  }
0x138: {  	[tilespmem:v63+s9+$0x0] =	vst.idx.msk $0xffff, v34  }
0x139: {  	s17 =	sshll.u32 s16, $0x7  }
0x13a: {  	s31 =	sshll.u32 s16, $0xA;
	s17 =	sand.u32 $0x3C00, s17  }
0x13b: {  	s16 =	sand.u32 $0xFFE0000, s31;
	s17 =	sadd.s32 s2, s17  }
0x13c: {  	s16 =	sadd.s32 s16, s17  }
0x13d: {  	[hbm4b:s16+s3] =	stream.linear.scatter [tilespmem:s9], [sflag:$0x1], $0x400, $0x38;
	[tilespmem:$0x1A480] =	vst v63  }
0x13e: {  	s16 =	simm.s32 @!p0 $0x2  }
0x13f: {  	s15 =	sadd.s32 s15, s4;
	_ =	swait.ge @!p0 [sflag:s16], $0x400  }
0x140: {  	s15 =	sadd.s32 $0x4, s15;
	[sflag:s16] =	ssyncset.done @!p0 $0x0  }
0x141: {  	s17 =	simm.s32 $0x0;
	[sflag:s16] =	ssyncadd.s32 @!p0 $0xFFFFFC00;
	s16 =	simm.s32 $0x0  }
.LBB2_7:
0x142: {  	s19 =	sand.u32 $0x70, s16  }
0x143: {  	s18 =	sand.u32 $0x1, s17;
	v34 =	vmov s19  }
0x144: {  	s18 =	sshll.u32 s18, $0xD;
	v35 =	vshll.u32 v34, $0x6  }
0x145: {  	s20 =	sand.u32 $0x3, s16;
	v34 =	vmov s18;
	v35 =	vor.u32 v2, v35  }
0x146: {  	s31 =	sshll.u32 s20, $0x4;
	v35 =	vor.u32 v34, v35  }
0x147: {  	v35 =	vor.u32 s31, v35  }
0x148: {  	v36 =	vor.u32 v1, v35;
	_ =	sdelay $0x1  }
0x149: {  	s20 =	sshll.u32 s20, $0xB;
	s18 =	sshll.u32 s17, $0xD  }
0x14a: {  	s20 =	sor.u32 s18, s20  }
0x14b: {  	s19 =	sor.u32 s19, s20  }
0x14c: {  	v37 =	vor.u32 s19, v3;
	v36 =	vld.idx.msk [tilespmem:v36+s8+$0x0], $0xffff  }
0x14d: {  	v38 =	vor.u32 v4, v35;
	_ =	sdelay $0x3  }
0x14e: {  	[tilespmem:v37+s10+$0x0] =	vst.idx.msk $0xffff, v36  }
0x14f: {  	v62 =	vor.u32 s19, v5;
	v36 =	vld.idx.msk [tilespmem:v38+s8+$0x0], $0xffff  }
0x150: {  	v63 =	vor.u32 v6, v35;
	_ =	sdelay $0x3  }
0x151: {  	[tilespmem:v62+s10+$0x0] =	vst.idx.msk $0xffff, v36  }
0x152: {  	v40 =	vor.u32 s19, v7;
	v36 =	vld.idx.msk [tilespmem:v63+s8+$0x0], $0xffff  }
0x153: {  	v41 =	vor.u32 v8, v35;
	_ =	sdelay $0x3  }
0x154: {  	[tilespmem:v40+s10+$0x0] =	vst.idx.msk $0xffff, v36  }
0x155: {  	v42 =	vor.u32 s19, v9;
	v36 =	vld.idx.msk [tilespmem:v41+s8+$0x0], $0xffff  }
0x156: {  	v43 =	vor.u32 v10, v35;
	_ =	sdelay $0x3  }
0x157: {  	[tilespmem:v42+s10+$0x0] =	vst.idx.msk $0xffff, v36  }
0x158: {  	v44 =	vor.u32 s19, v11;
	v36 =	vld.idx.msk [tilespmem:v43+s8+$0x0], $0xffff  }
0x159: {  	v45 =	vor.u32 v12, v35;
	_ =	sdelay $0x3  }
0x15a: {  	[tilespmem:v44+s10+$0x0] =	vst.idx.msk $0xffff, v36  }
0x15b: {  	v46 =	vor.u32 s19, v13;
	v36 =	vld.idx.msk [tilespmem:v45+s8+$0x0], $0xffff  }
0x15c: {  	v47 =	vor.u32 v14, v35;
	_ =	sdelay $0x3  }
0x15d: {  	[tilespmem:v46+s10+$0x0] =	vst.idx.msk $0xffff, v36  }
0x15e: {  	v48 =	vor.u32 s19, v15;
	v36 =	vld.idx.msk [tilespmem:v47+s8+$0x0], $0xffff  }
0x15f: {  	v49 =	vor.u32 v17, v35;
	_ =	sdelay $0x3  }
0x160: {  	[tilespmem:v48+s10+$0x0] =	vst.idx.msk $0xffff, v36  }
0x161: {  	v50 =	vor.u32 s19, v18;
	v36 =	vld.idx.msk [tilespmem:v49+s8+$0x0], $0xffff  }
0x162: {  	v51 =	vor.u32 v16, v35;
	_ =	sdelay $0x3  }
0x163: {  	[tilespmem:v50+s10+$0x0] =	vst.idx.msk $0xffff, v36  }
0x164: {  	v52 =	vor.u32 s19, v19;
	v36 =	vld.idx.msk [tilespmem:v51+s8+$0x0], $0xffff  }
0x165: {  	v53 =	vor.u32 v20, v35;
	_ =	sdelay $0x3  }
0x166: {  	[tilespmem:v52+s10+$0x0] =	vst.idx.msk $0xffff, v36  }
0x167: {  	v54 =	vor.u32 s19, v21;
	v36 =	vld.idx.msk [tilespmem:v53+s8+$0x0], $0xffff  }
0x168: {  	v55 =	vor.u32 v22, v35;
	_ =	sdelay $0x3  }
0x169: {  	[tilespmem:v54+s10+$0x0] =	vst.idx.msk $0xffff, v36  }
0x16a: {  	v56 =	vor.u32 s19, v23;
	v36 =	vld.idx.msk [tilespmem:v55+s8+$0x0], $0xffff  }
0x16b: {  	v57 =	vor.u32 v24, v35;
	_ =	sdelay $0x3  }
0x16c: {  	[tilespmem:v56+s10+$0x0] =	vst.idx.msk $0xffff, v36  }
0x16d: {  	v58 =	vor.u32 s19, v25;
	v36 =	vld.idx.msk [tilespmem:v57+s8+$0x0], $0xffff  }
0x16e: {  	v59 =	vor.u32 v26, v35;
	_ =	sdelay $0x3  }
0x16f: {  	[tilespmem:v58+s10+$0x0] =	vst.idx.msk $0xffff, v36  }
0x170: {  	v60 =	vor.u32 s19, v27;
	v36 =	vld.idx.msk [tilespmem:v59+s8+$0x0], $0xffff  }
0x171: {  	v61 =	vor.u32 v28, v35;
	_ =	sdelay $0x3  }
0x172: {  	[tilespmem:v60+s10+$0x0] =	vst.idx.msk $0xffff, v36  }
0x173: {  	v62 =	vor.u32 s19, v29;
	v36 =	vld.idx.msk [tilespmem:v61+s8+$0x0], $0xffff  }
0x174: {  	v63 =	vor.u32 v30, v35;
	_ =	sdelay $0x3  }
0x175: {  	[tilespmem:v62+s10+$0x0] =	vst.idx.msk $0xffff, v36  }
0x176: {  	v37 =	vor.u32 s19, v31;
	v36 =	vld.idx.msk [tilespmem:v63+s8+$0x0], $0xffff  }
0x177: {  	s20 =	simm.s32 $0x4;
	v35 =	vor.u32 v32, v35  }
0x178: {  	s21 =	simm.s32 $0x1;
	s22 =	simm.s32 $0x2;
	s23 =	sand.u32 $0x70, s20  }
.LBB2_8:
0x179: {  	p0 =	sne.s32 s22, $0x1F;
	v38 =	vmov s23  }
0x17a: {  	v38 =	vshll.u32 v38, $0x6  }
0x17b: {  	s24 =	sand.u32 $0x3, s21;
	s21 =	smov.u32 s22;
	v38 =	vor.u32 v2, v38;
	[tilespmem:v37+s10+$0x0] =	vst.idx.msk $0xffff, v36  }
0x17c: {  	s25 =	sshll.u32 s24, $0x4;
	v36 =	vor.u32 v34, v38;
	v37 =	vld.idx.msk [tilespmem:v35+s8+$0x0], $0xffff  }
0x17d: {  	v35 =	vor.u32 s25, v36;
	v36 =	vor.u32 s19, v33  }
0x17e: {  	v38 =	vor.u32 v1, v35;
	_ =	sdelay $0x2  }
0x17f: {  	s19 =	sshll.u32 s24, $0xB  }
0x180: {  	s19 =	sor.u32 s18, s19;
	[tilespmem:v36+s10+$0x0] =	vst.idx.msk $0xffff, v37  }
0x181: {  	s19 =	sor.u32 s23, s19;
	v36 =	vld.idx.msk [tilespmem:v38+s8+$0x0], $0xffff  }
0x182: {  	v37 =	vor.u32 s19, v3  }
0x183: {  	v38 =	vor.u32 v4, v35;
	_ =	sdelay $0x3  }
0x184: {  	[tilespmem:v37+s10+$0x0] =	vst.idx.msk $0xffff, v36  }
0x185: {  	v36 =	vld.idx.msk [tilespmem:v38+s8+$0x0], $0xffff  }
0x186: {  	v37 =	vor.u32 s19, v5  }
0x187: {  	v38 =	vor.u32 v6, v35;
	_ =	sdelay $0x3  }
0x188: {  	[tilespmem:v37+s10+$0x0] =	vst.idx.msk $0xffff, v36  }
0x189: {  	v36 =	vld.idx.msk [tilespmem:v38+s8+$0x0], $0xffff  }
0x18a: {  	v37 =	vor.u32 s19, v7  }
0x18b: {  	v38 =	vor.u32 v8, v35;
	_ =	sdelay $0x3  }
0x18c: {  	[tilespmem:v37+s10+$0x0] =	vst.idx.msk $0xffff, v36  }
0x18d: {  	v36 =	vld.idx.msk [tilespmem:v38+s8+$0x0], $0xffff  }
0x18e: {  	v37 =	vor.u32 s19, v9  }
0x18f: {  	v38 =	vor.u32 v10, v35;
	_ =	sdelay $0x3  }
0x190: {  	[tilespmem:v37+s10+$0x0] =	vst.idx.msk $0xffff, v36  }
0x191: {  	v36 =	vld.idx.msk [tilespmem:v38+s8+$0x0], $0xffff  }
0x192: {  	v37 =	vor.u32 s19, v11  }
0x193: {  	v38 =	vor.u32 v12, v35;
	_ =	sdelay $0x3  }
0x194: {  	[tilespmem:v37+s10+$0x0] =	vst.idx.msk $0xffff, v36  }
0x195: {  	v36 =	vld.idx.msk [tilespmem:v38+s8+$0x0], $0xffff  }
0x196: {  	v37 =	vor.u32 s19, v13  }
0x197: {  	v38 =	vor.u32 v14, v35;
	_ =	sdelay $0x3  }
0x198: {  	[tilespmem:v37+s10+$0x0] =	vst.idx.msk $0xffff, v36  }
0x199: {  	v36 =	vld.idx.msk [tilespmem:v38+s8+$0x0], $0xffff  }
0x19a: {  	v37 =	vor.u32 s19, v15  }
0x19b: {  	v38 =	vor.u32 v17, v35;
	_ =	sdelay $0x3  }
0x19c: {  	[tilespmem:v37+s10+$0x0] =	vst.idx.msk $0xffff, v36  }
0x19d: {  	v36 =	vld.idx.msk [tilespmem:v38+s8+$0x0], $0xffff  }
0x19e: {  	v37 =	vor.u32 s19, v18  }
0x19f: {  	v38 =	vor.u32 v16, v35;
	_ =	sdelay $0x3  }
0x1a0: {  	[tilespmem:v37+s10+$0x0] =	vst.idx.msk $0xffff, v36  }
0x1a1: {  	v36 =	vld.idx.msk [tilespmem:v38+s8+$0x0], $0xffff  }
0x1a2: {  	v37 =	vor.u32 s19, v19  }
0x1a3: {  	v38 =	vor.u32 v20, v35;
	_ =	sdelay $0x3  }
0x1a4: {  	[tilespmem:v37+s10+$0x0] =	vst.idx.msk $0xffff, v36  }
0x1a5: {  	v36 =	vld.idx.msk [tilespmem:v38+s8+$0x0], $0xffff  }
0x1a6: {  	v37 =	vor.u32 s19, v21  }
0x1a7: {  	v38 =	vor.u32 v22, v35;
	_ =	sdelay $0x3  }
0x1a8: {  	[tilespmem:v37+s10+$0x0] =	vst.idx.msk $0xffff, v36  }
0x1a9: {  	v36 =	vld.idx.msk [tilespmem:v38+s8+$0x0], $0xffff  }
0x1aa: {  	v37 =	vor.u32 s19, v23  }
0x1ab: {  	v38 =	vor.u32 v24, v35;
	_ =	sdelay $0x3  }
0x1ac: {  	[tilespmem:v37+s10+$0x0] =	vst.idx.msk $0xffff, v36  }
0x1ad: {  	v36 =	vld.idx.msk [tilespmem:v38+s8+$0x0], $0xffff  }
0x1ae: {  	v37 =	vor.u32 s19, v25  }
0x1af: {  	v38 =	vor.u32 v26, v35;
	_ =	sdelay $0x3  }
0x1b0: {  	[tilespmem:v37+s10+$0x0] =	vst.idx.msk $0xffff, v36  }
0x1b1: {  	v36 =	vld.idx.msk [tilespmem:v38+s8+$0x0], $0xffff  }
0x1b2: {  	v37 =	vor.u32 s19, v27  }
0x1b3: {  	v38 =	vor.u32 v28, v35;
	_ =	sdelay $0x3  }
0x1b4: {  	[tilespmem:v37+s10+$0x0] =	vst.idx.msk $0xffff, v36  }
0x1b5: {  	v36 =	vld.idx.msk [tilespmem:v38+s8+$0x0], $0xffff  }
0x1b6: {  	v37 =	vor.u32 s19, v29  }
0x1b7: {  	v38 =	vor.u32 v30, v35;
	_ =	sdelay $0x3  }
.Ltmp2:
0x1b8: {  	[tilespmem:v37+s10+$0x0] =	vst.idx.msk $0xffff, v36;
	(pc) =	sbr.rel @p0 .LBB2_8-.Ltmp2, $4  }
0x1b9: {  	v36 =	vld.idx.msk [tilespmem:v38+s8+$0x0], $0xffff  }
0x1ba: {  	v37 =	vor.u32 s19, v31  }
0x1bb: {  	s20 =	sadd.s32 $0x4, s20;
	v35 =	vor.u32 v32, v35  }
0x1bc: {  	s22 =	sadd.s32 $0x1, s22;
	s23 =	sand.u32 $0x70, s20  }
0x1bd: {  	_ = 	snop  }
0x1be: {  	v38 =	vmov s23  }
0x1bf: {  	v38 =	vshll.u32 v38, $0x6  }
0x1c0: {  	s20 =	sand.u32 $0x3, s21;
	v38 =	vor.u32 v2, v38  }
0x1c1: {  	[tilespmem:v37+s10+$0x0] =	vst.idx.msk $0xffff, v36;
	s21 =	sshll.u32 s20, $0x4;
	v34 =	vor.u32 v34, v38  }
0x1c2: {  	v56 =	vor.u32 s19, v33;
	v35 =	vld.idx.msk [tilespmem:v35+s8+$0x0], $0xffff;
	v34 =	vor.u32 s21, v34  }
0x1c3: {  	v57 =	vor.u32 v1, v34;
	_ =	sdelay $0x1  }
0x1c4: {  	s31 =	sshll.u32 s20, $0xB  }
0x1c5: {  	s18 =	sor.u32 s18, s31  }
0x1c6: {  	s18 =	sor.u32 s23, s18;
	[tilespmem:v56+s10+$0x0] =	vst.idx.msk $0xffff, v35  }
0x1c7: {  	v58 =	vor.u32 s18, v3;
	v35 =	vld.idx.msk [tilespmem:v57+s8+$0x0], $0xffff  }
0x1c8: {  	v59 =	vor.u32 v4, v34;
	_ =	sdelay $0x3  }
0x1c9: {  	[tilespmem:v58+s10+$0x0] =	vst.idx.msk $0xffff, v35  }
0x1ca: {  	v60 =	vor.u32 s18, v5;
	v35 =	vld.idx.msk [tilespmem:v59+s8+$0x0], $0xffff  }
0x1cb: {  	v61 =	vor.u32 v6, v34;
	_ =	sdelay $0x3  }
0x1cc: {  	[tilespmem:v60+s10+$0x0] =	vst.idx.msk $0xffff, v35  }
0x1cd: {  	v62 =	vor.u32 s18, v7;
	v35 =	vld.idx.msk [tilespmem:v61+s8+$0x0], $0xffff  }
0x1ce: {  	v63 =	vor.u32 v8, v34;
	_ =	sdelay $0x3  }
0x1cf: {  	[tilespmem:v62+s10+$0x0] =	vst.idx.msk $0xffff, v35  }
0x1d0: {  	v40 =	vor.u32 s18, v9;
	v35 =	vld.idx.msk [tilespmem:v63+s8+$0x0], $0xffff  }
0x1d1: {  	v41 =	vor.u32 v10, v34;
	_ =	sdelay $0x3  }
0x1d2: {  	[tilespmem:v40+s10+$0x0] =	vst.idx.msk $0xffff, v35  }
0x1d3: {  	v42 =	vor.u32 s18, v11;
	v35 =	vld.idx.msk [tilespmem:v41+s8+$0x0], $0xffff  }
0x1d4: {  	v43 =	vor.u32 v12, v34;
	_ =	sdelay $0x3  }
0x1d5: {  	[tilespmem:v42+s10+$0x0] =	vst.idx.msk $0xffff, v35  }
0x1d6: {  	v44 =	vor.u32 s18, v13;
	v35 =	vld.idx.msk [tilespmem:v43+s8+$0x0], $0xffff  }
0x1d7: {  	v45 =	vor.u32 v14, v34;
	_ =	sdelay $0x3  }
0x1d8: {  	[tilespmem:v44+s10+$0x0] =	vst.idx.msk $0xffff, v35  }
0x1d9: {  	v46 =	vor.u32 s18, v15;
	v35 =	vld.idx.msk [tilespmem:v45+s8+$0x0], $0xffff  }
0x1da: {  	v47 =	vor.u32 v17, v34;
	_ =	sdelay $0x3  }
0x1db: {  	[tilespmem:v46+s10+$0x0] =	vst.idx.msk $0xffff, v35  }
0x1dc: {  	v48 =	vor.u32 s18, v18;
	v35 =	vld.idx.msk [tilespmem:v47+s8+$0x0], $0xffff  }
0x1dd: {  	v49 =	vor.u32 v16, v34;
	_ =	sdelay $0x3  }
0x1de: {  	[tilespmem:v48+s10+$0x0] =	vst.idx.msk $0xffff, v35  }
0x1df: {  	v50 =	vor.u32 s18, v19;
	v35 =	vld.idx.msk [tilespmem:v49+s8+$0x0], $0xffff  }
0x1e0: {  	v51 =	vor.u32 v20, v34;
	_ =	sdelay $0x3  }
0x1e1: {  	[tilespmem:v50+s10+$0x0] =	vst.idx.msk $0xffff, v35  }
0x1e2: {  	v52 =	vor.u32 s18, v21;
	v35 =	vld.idx.msk [tilespmem:v51+s8+$0x0], $0xffff  }
0x1e3: {  	v53 =	vor.u32 v22, v34;
	_ =	sdelay $0x3  }
0x1e4: {  	[tilespmem:v52+s10+$0x0] =	vst.idx.msk $0xffff, v35  }
0x1e5: {  	v54 =	vor.u32 s18, v23;
	v35 =	vld.idx.msk [tilespmem:v53+s8+$0x0], $0xffff  }
0x1e6: {  	v55 =	vor.u32 v24, v34;
	_ =	sdelay $0x3  }
0x1e7: {  	[tilespmem:v54+s10+$0x0] =	vst.idx.msk $0xffff, v35  }
0x1e8: {  	v56 =	vor.u32 s18, v25;
	v35 =	vld.idx.msk [tilespmem:v55+s8+$0x0], $0xffff  }
0x1e9: {  	v57 =	vor.u32 v26, v34;
	_ =	sdelay $0x3  }
0x1ea: {  	[tilespmem:v56+s10+$0x0] =	vst.idx.msk $0xffff, v35  }
0x1eb: {  	v58 =	vor.u32 s18, v27;
	v35 =	vld.idx.msk [tilespmem:v57+s8+$0x0], $0xffff  }
0x1ec: {  	v59 =	vor.u32 v28, v34;
	_ =	sdelay $0x3  }
0x1ed: {  	[tilespmem:v58+s10+$0x0] =	vst.idx.msk $0xffff, v35  }
0x1ee: {  	v60 =	vor.u32 s18, v29;
	v35 =	vld.idx.msk [tilespmem:v59+s8+$0x0], $0xffff  }
0x1ef: {  	v61 =	vor.u32 v30, v34;
	_ =	sdelay $0x3  }
0x1f0: {  	[tilespmem:v60+s10+$0x0] =	vst.idx.msk $0xffff, v35  }
0x1f1: {  	v62 =	vor.u32 s18, v31;
	v35 =	vld.idx.msk [tilespmem:v61+s8+$0x0], $0xffff  }
0x1f2: {  	v34 =	vor.u32 v32, v34;
	_ =	sdelay $0x3  }
0x1f3: {  	s17 =	sadd.s32 $0x1, s17;
	[tilespmem:v62+s10+$0x0] =	vst.idx.msk $0xffff, v35  }
0x1f4: {  	p0 =	sne.s32 s17, $0x4;
	v63 =	vor.u32 s18, v33;
	v34 =	vld.idx.msk [tilespmem:v34+s8+$0x0], $0xffff  }
.Ltmp3:
0x1f5: {  	_ = 	snop;
	(pc) =	sbr.rel @p0 .LBB2_7-.Ltmp3, $2  }
0x1f6: {  	_ =	sdelay $0x2  }
0x1f7: {  	[tilespmem:v63+s10+$0x0] =	vst.idx.msk $0xffff, v34  }
0x1f8: {  	s14 =	sadd.s32 $0x1, s14  }
0x1f9: {  	p0 =	sne.s32 s14, $0x19  }
.Ltmp4:
0x1fa: {  	s16 =	sshll.u32 s15, $0x7;
	(pc) =	sbr.rel @p0 .LBB2_2-.Ltmp4, $4  }
0x1fb: {  	s31 =	sshll.u32 s15, $0xA;
	s16 =	sand.u32 $0x3E00, s16  }
0x1fc: {  	s15 =	sand.u32 $0xFFE0000, s31;
	s16 =	sadd.s32 s2, s16  }
0x1fd: {  	s15 =	sadd.s32 s15, s16  }
0x1fe: {  	[hbm4b:s15+s3] =	stream.linear.scatter [tilespmem:s10], [sflag:$0x2], $0x400, $0x38;
	[tilespmem:$0x1A480] =	vst v63  }
0x1ff: {  	s13 =	sadd.s32 $0x1, s13  }
0x200: {  	_ =	swait.ge [sflag:s11], $0x400;
	p0 =	sne.s32 s13, s6  }
.Ltmp5:
0x201: {  	[sflag:s11] =	ssyncset.done $0x0;
	(pc) =	sbr.rel @p0 .LBB2_1-.Ltmp5, $4  }
0x202: {  	[sflag:s11] =	ssyncadd.s32 $0xFFFFFC00  }
0x203: {  	_ =	swait.ge [sflag:s12], $0x400  }
0x204: {  	[sflag:s12] =	ssyncset.done $0x0  }
0x205: {  	[sflag:s12] =	ssyncadd.s32 $0xFFFFFC00  }
0x206: {  	_ =	sfence.sel $0x180000  }
0x207: {  	[bflag:$0x0] =	sbarrier.arrive $0xFFFF  }
0x208: {  	p0 =	sne.s32 s0, $0x0;
	_ =	strace $0x90000047  }
0x209: {  	s0 =	sadd.s32 @!p0 $0x100000, s1;
	[bflag:$0x2] =	sbarrier.arrive $0xFFFF  }
0x20a: {  	[sflag:s0] =	ssyncadd.tile.s32 @!p0 $0x1;
	_ =	shalt  }
.Lfunc_end2:
_tile_overlayer_lowered:
.L_overlay_start_2:
0x20b: {  	(tag) =	ssettag $0x2  }
0x20c: {  	s0 =	rddreg [dreg:$0x0];
	s2 =	stileid.u32  }
0x20d: {  	s1 =	rddreg [dreg:$0x1];
	p0 =	sne.s32 s2, $0x0  }
0x20e: {  	s3 =	rddreg [dreg:$0x2];
	[bflag:$0x3] =	sbarrier.arrive $0xFFFF;
	s2 =	simm.s32 @!p0 $0x1C03  }
0x20f: {  	[timem:s3], [sflag:s2] =	dma.local @!p0 [hbm:s0], s1  }
0x210: {  	s0 =	simm.s32 @!p0 $0x3  }
0x211: {  	_ =	swait.ge @!p0 [sflag:s0], s1  }
0x212: {  	s1 =	ssub.s32 @!p0 $0x0, s1;
	[sflag:s0] =	ssyncset.done @!p0 $0x0  }
0x213: {  	[sflag:s0] =	ssyncadd.s32 @!p0 s1  }
0x214: {  	[bflag:$0x3] =	sbarrier.arrive $0xFFFF  }
0x215: {  	_ =	shalt  }

</sc_bundles>
